<compile_context>
chip_gen: v7x
topology: tpu7x:2x2x1
jax: 0.10.2.dev20260603
libtpu: 0.0.44.dev20260713+nightly
codegen_flags: <defaults>
</compile_context>

<pallas_src>
import functools

import jax
import jax.numpy as jnp
from jax import lax
from jax.experimental import pallas as pl
from jax.experimental.pallas import tpu as pltpu
from jax.experimental.pallas import tpu_sc as plsc

NC = 2
NS = 16
NW = NC * NS
K = 128
ZR = 64

_SC_PARAMS = pltpu.CompilerParams(use_tc_tiling_on_sc=False)


@functools.cache
def _mesh():
    return plsc.VectorSubcoreMesh(core_axis_name="c", subcore_axis_name="s",
                                  num_cores=NC, num_subcores=NS)


def _sc_degree(dst_r, n_pad):
    nch = dst_r.shape[1]
    r = n_pad // NS

    @functools.partial(
        pl.kernel,
        out_type=jax.ShapeDtypeStruct((NC, n_pad, 16), jnp.float32),
        mesh=_mesh(),
        scratch_types=[
            pltpu.VMEM((nch, K), jnp.int32),
            pltpu.VMEM((K, 16), jnp.float32),
            pltpu.VMEM((ZR, 16), jnp.float32),
            pltpu.VMEM_SHARED((n_pad, 16), jnp.float32),
        ],
        compiler_params=_SC_PARAMS,
    )
    def deg_kernel(dst_hbm, out_hbm, didx, obuf, zbuf, accum):
        c = lax.axis_index("c")
        s = lax.axis_index("s")
        wid = s * NC + c

        pltpu.sync_copy(dst_hbm.at[wid], didx)

        @pl.loop(0, ZR)
        def _(i):
            zbuf[i] = jnp.zeros((16,), jnp.float32)

        @pl.loop(0, K)
        def _(i):
            obuf[i] = jnp.ones((16,), jnp.float32)

        @pl.loop(0, r, step=ZR)
        def _(rr):
            pltpu.sync_copy(zbuf, accum.at[pl.ds(s * r + rr, ZR)])

        plsc.subcore_barrier()

        @pl.loop(0, nch)
        def _(t):
            pltpu.sync_copy(obuf, accum.at[didx.at[t]], add=True)

        plsc.subcore_barrier()
        pltpu.sync_copy(accum.at[pl.ds(s * r, r)], out_hbm.at[c].at[pl.ds(s * r, r)])

    return deg_kernel(dst_r)


def _sc_aggregate(hp, src_f, dst_f, n_pad, d, nbuf):
    e_pad = src_f.shape[0]
    ep = e_pad // NW
    r = n_pad // NS

    scratch = (
        [pltpu.VMEM((K,), jnp.int32) for _ in range(2 * nbuf)]
        + [pltpu.VMEM((K, d), jnp.float32) for _ in range(nbuf)]
        + [pltpu.VMEM((ZR, d), jnp.float32),
           pltpu.VMEM_SHARED((n_pad, d), jnp.float32)]
        + [pltpu.SemaphoreType.DMA for _ in range(nbuf)]
    )

    @functools.partial(
        pl.kernel,
        out_type=jax.ShapeDtypeStruct((NC, n_pad, d), jnp.float32),
        mesh=_mesh(),
        scratch_types=scratch,
        compiler_params=_SC_PARAMS,
    )
    def agg_kernel(hp_hbm, src_hbm, dst_hbm, out_hbm, *refs):
        sidx = refs[:nbuf]
        didx = refs[nbuf:2 * nbuf]
        gbuf = refs[2 * nbuf:3 * nbuf]
        zbuf = refs[3 * nbuf]
        accum = refs[3 * nbuf + 1]
        sem = refs[3 * nbuf + 2:]

        c = lax.axis_index("c")
        s = lax.axis_index("s")
        wid = s * NC + c

        @pl.loop(0, ZR)
        def _(i):
            @pl.loop(0, d, step=16)
            def _(j):
                zbuf[i, pl.ds(j, 16)] = jnp.zeros((16,), jnp.float32)

        @pl.loop(0, r, step=ZR)
        def _(rr):
            pltpu.sync_copy(zbuf, accum.at[pl.ds(s * r + rr, ZR)])

        plsc.subcore_barrier()

        base = wid * ep

        for b in range(nbuf - 1):
            pltpu.sync_copy(src_hbm.at[pl.ds(base + b * K, K)], sidx[b])
            pltpu.sync_copy(dst_hbm.at[pl.ds(base + b * K, K)], didx[b])
            pltpu.async_copy(hp_hbm.at[sidx[b]], gbuf[b], sem[b])

        @pl.loop(0, ep, step=nbuf * K)
        def _(t):
            for b in range(nbuf):
                cur = t + b * K
                pre = cur + (nbuf - 1) * K
                sn = (b + nbuf - 1) % nbuf

                @pl.when(pre < ep)
                def _(pre=pre, sn=sn):
                    pltpu.sync_copy(src_hbm.at[pl.ds(base + pre, K)], sidx[sn])
                    pltpu.sync_copy(dst_hbm.at[pl.ds(base + pre, K)], didx[sn])
                    pltpu.async_copy(hp_hbm.at[sidx[sn]], gbuf[sn], sem[sn])

                pltpu.make_async_copy(hp_hbm.at[sidx[b]], gbuf[b], sem[b]).wait()
                pltpu.sync_copy(gbuf[b], accum.at[didx[b]], add=True)

        plsc.subcore_barrier()
        pltpu.sync_copy(accum.at[pl.ds(s * r, r)], out_hbm.at[c].at[pl.ds(s * r, r)])

    return agg_kernel(hp, src_f, dst_f)


def _dinv_from(dp_ref):
    deg = dp_ref[0, :, :1] + dp_ref[1, :, :1]
    return jnp.where(deg > 0, lax.rsqrt(deg), 0.0)


def _tc_k1a(x_pad, W1, blk):
    n_pad, d_in = x_pad.shape
    d_hid = W1.shape[1]

    def body(x_ref, w_ref, o_ref):
        o_ref[...] = jnp.dot(x_ref[...], w_ref[...],
                             preferred_element_type=jnp.float32)

    return pl.pallas_call(
        body,
        grid=(n_pad // blk,),
        in_specs=[
            pl.BlockSpec((blk, d_in), lambda i: (i, 0)),
            pl.BlockSpec((d_in, d_hid), lambda i: (0, 0)),
        ],
        out_specs=pl.BlockSpec((blk, d_hid), lambda i: (i, 0)),
        out_shape=jax.ShapeDtypeStruct((n_pad, d_hid), jnp.float32),
    )(x_pad, W1)


def _tc_k1b(h0, degp, blk):
    n_pad, d_hid = h0.shape

    def body(h_ref, dp_ref, o_ref):
        o_ref[...] = h_ref[...] * _dinv_from(dp_ref)

    return pl.pallas_call(
        body,
        grid=(n_pad // blk,),
        in_specs=[
            pl.BlockSpec((blk, d_hid), lambda i: (i, 0)),
            pl.BlockSpec((NC, blk, 16), lambda i: (0, i, 0)),
        ],
        out_specs=pl.BlockSpec((blk, d_hid), lambda i: (i, 0)),
        out_shape=jax.ShapeDtypeStruct((n_pad, d_hid), jnp.float32),
    )(h0, degp)


def _tc_k2(p, degp, b1, W2, blk):
    n_pad, d_hid = p.shape[1], p.shape[2]
    d_emb = W2.shape[1]

    def body(p_ref, dp_ref, b_ref, w_ref, o_ref):
        dinv = _dinv_from(dp_ref)
        h1 = jnp.maximum((p_ref[0] + p_ref[1]) * dinv + b_ref[...], 0.0)
        o_ref[...] = jnp.dot(h1, w_ref[...],
                             preferred_element_type=jnp.float32) * dinv

    return pl.pallas_call(
        body,
        grid=(n_pad // blk,),
        in_specs=[
            pl.BlockSpec((NC, blk, d_hid), lambda i: (0, i, 0)),
            pl.BlockSpec((NC, blk, 16), lambda i: (0, i, 0)),
            pl.BlockSpec((1, d_hid), lambda i: (0, 0)),
            pl.BlockSpec((d_hid, d_emb), lambda i: (0, 0)),
        ],
        out_specs=pl.BlockSpec((blk, d_emb), lambda i: (i, 0)),
        out_shape=jax.ShapeDtypeStruct((n_pad, d_emb), jnp.float32),
    )(p, degp, b1.reshape(1, -1), W2)


def _tc_k3(q, degp, b2, Wc_pad, bc_pad, blk):
    n_pad, d_emb = q.shape[1], q.shape[2]
    n_out = Wc_pad.shape[1]

    def body(q_ref, dp_ref, b_ref, w_ref, bc_ref, o_ref):
        dinv = _dinv_from(dp_ref)
        h2 = jnp.maximum((q_ref[0] + q_ref[1]) * dinv + b_ref[...], 0.0)
        o_ref[...] = jnp.dot(h2, w_ref[...],
                             preferred_element_type=jnp.float32) + bc_ref[...]

    return pl.pallas_call(
        body,
        grid=(n_pad // blk,),
        in_specs=[
            pl.BlockSpec((NC, blk, d_emb), lambda i: (0, i, 0)),
            pl.BlockSpec((NC, blk, 16), lambda i: (0, i, 0)),
            pl.BlockSpec((1, d_emb), lambda i: (0, 0)),
            pl.BlockSpec((d_emb, n_out), lambda i: (0, 0)),
            pl.BlockSpec((1, n_out), lambda i: (0, 0)),
        ],
        out_specs=pl.BlockSpec((blk, n_out), lambda i: (i, 0)),
        out_shape=jax.ShapeDtypeStruct((n_pad, n_out), jnp.float32),
    )(q, degp, b2.reshape(1, -1), Wc_pad, bc_pad)


def kernel(x, edge_index, W1, b1, W2, b2, Wc, bc):
    n, d_in = x.shape
    d_hid = W1.shape[1]
    d_emb = W2.shape[1]
    n_cls = Wc.shape[1]
    e = edge_index.shape[1]
    e_tot = e + n

    ep = -(-e_tot // (NW * 2 * K)) * 2 * K
    e_pad = ep * NW
    nch = ep // K
    n_pad = -(-(n + 1) // (NS * ZR)) * (NS * ZR)

    idt = edge_index.dtype
    loop_idx = jnp.arange(n, dtype=idt)
    pad_idx = n + jnp.arange(e_pad - e_tot, dtype=idt) % (n_pad - n)
    src_f = jnp.concatenate([edge_index[0], loop_idx, pad_idx])
    dst_f = jnp.concatenate([edge_index[1], loop_idx, pad_idx])
    dst_r = dst_f.reshape(NW, nch, K)

    x_pad = jnp.pad(x.astype(jnp.float32), ((0, n_pad - n), (0, 0)))
    wc_pad = jnp.pad(Wc, ((0, 0), (0, 128 - n_cls)))
    bc_pad = jnp.pad(bc, (0, 128 - n_cls)).reshape(1, -1)

    blk = 2048
    h0 = _tc_k1a(x_pad, W1, blk)
    degp = _sc_degree(dst_r, n_pad)
    hp = _tc_k1b(h0, degp, blk)
    p = _sc_aggregate(hp, src_f, dst_f, n_pad, d_hid, 2)
    h2p = _tc_k2(p, degp, b1, W2, blk)
    q = _sc_aggregate(h2p, src_f, dst_f, n_pad, d_emb, 2)
    outp = _tc_k3(q, degp, b2, wc_pad, bc_pad, blk)
    return outp[:n, :n_cls]

# --- scband reference (transcript-rebuilt; emitter-appended) ---
"""Pipeline reference for scband-gcn-42872363548952 (READ-ONLY COPY).

The authoritative reference and input builder live on the scoring server;
editing this copy changes nothing except your own understanding.
"""

import jax, jax.numpy as jnp
import numpy as np

N_NODES = 10000
N_EDGES = 320000
D_IN = 128
D_HID = 128
D_EMB = 64
N_CLS = 40


def setup_inputs(seed: int = 0) -> dict:
    key = jax.random.key(seed)
    ks = jax.random.split(key, 9)
    x = jax.random.normal(ks[0], (N_NODES, D_IN), dtype=jnp.float32)
    edge_index = jax.random.randint(ks[1], (2, N_EDGES), 0, N_NODES, dtype=jnp.int32)
    # GCNConv weights (Glorot-ish init) and biases
    W1 = jax.random.normal(ks[2], (D_IN, D_HID), dtype=jnp.float32) / np.sqrt(D_IN)
    b1 = jnp.zeros((D_HID,), dtype=jnp.float32)
    W2 = jax.random.normal(ks[3], (D_HID, D_EMB), dtype=jnp.float32) / np.sqrt(D_HID)
    b2 = jnp.zeros((D_EMB,), dtype=jnp.float32)
    Wc = jax.random.normal(ks[4], (D_EMB, N_CLS), dtype=jnp.float32) / np.sqrt(D_EMB)
    bc = jnp.zeros((N_CLS,), dtype=jnp.float32)
    return {"x": x, "edge_index": edge_index, "W1": W1, "b1": b1, "W2": W2, "b2": b2, "Wc": Wc, "bc": bc}


def _gcn_conv(x, src, dst, W, b, n):
    # symmetric-normalized GCN aggregation (self loops already appended to src/dst)
    deg = jnp.zeros((n,), x.dtype).at[dst].add(1.0)
    dinv = jnp.where(deg > 0, jax.lax.rsqrt(jnp.maximum(deg, 1e-12)), 0.0)
    norm = dinv[src] * dinv[dst]
    h = x @ W
    msg = jnp.take(h, src, axis=0) * norm[:, None]
    out = jnp.zeros((n, W.shape[1]), x.dtype).at[dst].add(msg)
    return out + b


def reference(x, edge_index, W1, b1, W2, b2, Wc, bc):
    n = x.shape[0]
    loop = jnp.arange(n, dtype=edge_index.dtype)
    src = jnp.concatenate([edge_index[0], loop])
    dst = jnp.concatenate([edge_index[1], loop])
    h = _gcn_conv(x.astype(jnp.float32), src, dst, W1, b1, n)
    h = jax.nn.relu(h)
    # dropout is identity in eval mode
    h = _gcn_conv(h, src, dst, W2, b2, n)
    h = jax.nn.relu(h)
    return h @ Wc + bc

if __name__ == "__main__":
    import jax
    _d = setup_inputs()
    print(jax.jit(kernel)(*tuple(_d.values())))

</pallas_src>

<mosaic_0001>
#map = affine_map<(d0, d1) -> (0, 0)>
#map1 = affine_map<(d0, d1) -> (0)>
#map2 = affine_map<(d0, d1) -> (0, 0, 0)>
module attributes {stable_mosaic.version = 14 : i64} {
  func.func @agg_kernel(%arg0: i32, %arg1: i32, %arg2: memref<10240x128xf32, #tpu.memory_space<hbm>>, %arg3: memref<335872xi32, #tpu.memory_space<hbm>>, %arg4: memref<335872xi32, #tpu.memory_space<hbm>>, %arg5: memref<2x10240x128xf32, #tpu.memory_space<hbm>>, %arg6: memref<128xi32, #tpu.memory_space<vmem>>, %arg7: memref<128xi32, #tpu.memory_space<vmem>>, %arg8: memref<128xi32, #tpu.memory_space<vmem>>, %arg9: memref<128xi32, #tpu.memory_space<vmem>>, %arg10: memref<128x128xf32, #tpu.memory_space<vmem>>, %arg11: memref<128x128xf32, #tpu.memory_space<vmem>>, %arg12: memref<64x128xf32, #tpu.memory_space<vmem>>, %arg13: memref<10240x128xf32, #tpu.memory_space<vmem_shared>>, %arg14: memref<!tpu.dma_semaphore, #tpu.memory_space<semaphore_mem>>, %arg15: memref<!tpu.dma_semaphore, #tpu.memory_space<semaphore_mem>>) attributes {dimension_semantics = [#tpu.dimension_semantics<core_parallel>, #tpu.dimension_semantics<subcore_parallel>], iteration_bounds = array<i64: 2, 16>, scalar_prefetch = 0 : i64, scratch_operands = 10 : i64, tpu.core_type = #tpu.core_type<sc_vector_subcore>, window_params = [{transform_indices = #map}, {transform_indices = #map1}, {transform_indices = #map1}, {transform_indices = #map2}]} {
    %mul3A = arith.constant 2 : i32
    %mul3A_0 = arith.muli %arg1, %mul3A : i32
    %add3A = arith.addi %mul3A_0, %arg0 : i32
    %scan3A = arith.constant 0 : i32
    %scan3A_1 = arith.constant 64 : i32
    %scan3A_2 = arith.addi %scan3A, %scan3A_1 : i32
    %scan3A_3 = arith.constant 1 : i32
    scf.for %scan3A_28 = %scan3A to %scan3A_2 step %scan3A_3  : i32 {
      %mul3A_29 = arith.constant 1 : i32
      %mul3A_30 = arith.muli %scan3A_28, %mul3A_29 : i32
      %add3A_31 = arith.constant 0 : i32
      %add3A_32 = arith.addi %add3A_31, %mul3A_30 : i32
      %scan3A_33 = arith.constant 0 : i32
      %scan3A_34 = arith.constant 8 : i32
      %scan3A_35 = arith.addi %scan3A_33, %scan3A_34 : i32
      %scan3A_36 = arith.constant 1 : i32
      scf.for %scan3A_38 = %scan3A_33 to %scan3A_35 step %scan3A_36  : i32 {
        %mul3A_39 = arith.constant 16 : i32
        %mul3A_40 = arith.muli %scan3A_38, %mul3A_39 : i32
        %add3A_41 = arith.constant 0 : i32
        %add3A_42 = arith.addi %add3A_41, %mul3A_40 : i32
        %broadcast_in_dim3A = arith.constant 0.000000e+00 : f32
        %broadcast_in_dim3A_43 = vector.broadcast %broadcast_in_dim3A : f32 to vector<16xf32>
        %swap3A = arith.index_cast %add3A_32 : i32 to index
        %swap3A_44 = arith.index_cast %add3A_42 : i32 to index
        %swap3A_45 = tpu.vector_load %arg12[%swap3A, %swap3A_44] {strides = array<i32>} : memref<64x128xf32, #tpu.memory_space<vmem>>, vector<1x16xf32>,
        %swap3A_46 = vector.shape_cast %swap3A_45 : vector<1x16xf32> to vector<16xf32>
        %swap3A_47 = vector.shape_cast %broadcast_in_dim3A_43 : vector<16xf32> to vector<1x16xf32>
        tpu.vector_store %arg12[%swap3A, %swap3A_44], %swap3A_47 {strides = array<i32>} : memref<64x128xf32, #tpu.memory_space<vmem>>, vector<1x16xf32>,
      }
      %scan3A_37 = arith.constant 8 : i32
    }
    %scan3A_4 = arith.constant 64 : i32
    %scan3A_5 = arith.constant 0 : i32
    %scan3A_6 = arith.constant 10 : i32
    %scan3A_7 = arith.addi %scan3A_5, %scan3A_6 : i32
    %scan3A_8 = arith.constant 1 : i32
    scf.for %scan3A_28 = %scan3A_5 to %scan3A_7 step %scan3A_8  : i32 {
      %mul3A_29 = arith.constant 64 : i32
      %mul3A_30 = arith.muli %scan3A_28, %mul3A_29 : i32
      %add3A_31 = arith.constant 0 : i32
      %add3A_32 = arith.addi %add3A_31, %mul3A_30 : i32
      %mul3A_33 = arith.constant 640 : i32
      %mul3A_34 = arith.muli %arg1, %mul3A_33 : i32
      %add3A_35 = arith.addi %mul3A_34, %add3A_32 : i32
      "tpu.region"() ({
        %run_scoped3A = tpu.sem_alloc : memref<!tpu.dma_semaphore, #tpu.memory_space<semaphore_mem>>
        %dma_start3A_36 = arith.constant 0 : i32
        %dma_start3A_37 = tpu.memref_slice %arg13[%add3A_35, %dma_start3A_36] : memref<10240x128xf32, #tpu.memory_space<vmem_shared>> -> memref<64x128xf32, #tpu.memory_space<vmem_shared>>
        %dma_start3A_38 = arith.constant 0 : i32
        %dma_start3A_39 = tpu.memref_slice %arg13[%add3A_35, %dma_start3A_38] : memref<10240x128xf32, #tpu.memory_space<vmem_shared>> -> memref<64x128xf32, #tpu.memory_space<vmem_shared>>
        tpu.enqueue_dma source(%arg12 : memref<64x128xf32, #tpu.memory_space<vmem>>) target(%dma_start3A_39 : memref<64x128xf32, #tpu.memory_space<vmem_shared>>) target_semaphore(%run_scoped3A : memref<!tpu.dma_semaphore, #tpu.memory_space<semaphore_mem>>)
        %dma_wait3A = arith.constant 0 : i32
        %dma_wait3A_40 = tpu.memref_slice %arg13[%add3A_35, %dma_wait3A] : memref<10240x128xf32, #tpu.memory_space<vmem_shared>> -> memref<64x128xf32, #tpu.memory_space<vmem_shared>>
        %dma_wait3A_41 = arith.constant 0 : i32
        %dma_wait3A_42 = tpu.memref_slice %arg13[%add3A_35, %dma_wait3A_41] : memref<10240x128xf32, #tpu.memory_space<vmem_shared>> -> memref<64x128xf32, #tpu.memory_space<vmem_shared>>
        tpu.wait_dma2 semaphore(%run_scoped3A : memref<!tpu.dma_semaphore, #tpu.memory_space<semaphore_mem>>) src(%arg12 : memref<64x128xf32, #tpu.memory_space<vmem>>) dst(%dma_wait3A_42 : memref<64x128xf32, #tpu.memory_space<vmem_shared>>)
        tpu.yield
      }) : () -> ()
    }
    %scan3A_9 = arith.constant 10 : i32
    %barrier3A = arith.constant 0 : index
    tpu.barrier barrier_id(%barrier3A)
    %mul3A_10 = arith.constant 10496 : i32
    %mul3A_11 = arith.muli %add3A, %mul3A_10 : i32
    %add3A_12 = arith.constant 0 : i32
    %add3A_13 = arith.addi %mul3A_11, %add3A_12 : i32
    "tpu.region"() ({
      %run_scoped3A = tpu.sem_alloc : memref<!tpu.dma_semaphore, #tpu.memory_space<semaphore_mem>>
      %dma_start3A_28 = tpu.memref_slice %arg3[%add3A_13] : memref<335872xi32, #tpu.memory_space<hbm>> -> memref<128xi32, #tpu.memory_space<hbm>>
      %dma_start3A_29 = tpu.memref_slice %arg3[%add3A_13] : memref<335872xi32, #tpu.memory_space<hbm>> -> memref<128xi32, #tpu.memory_space<hbm>>
      tpu.enqueue_dma source(%dma_start3A_29 : memref<128xi32, #tpu.memory_space<hbm>>) target(%arg6 : memref<128xi32, #tpu.memory_space<vmem>>) target_semaphore(%run_scoped3A : memref<!tpu.dma_semaphore, #tpu.memory_space<semaphore_mem>>)
      %dma_wait3A = tpu.memref_slice %arg3[%add3A_13] : memref<335872xi32, #tpu.memory_space<hbm>> -> memref<128xi32, #tpu.memory_space<hbm>>
      %dma_wait3A_30 = tpu.memref_slice %arg3[%add3A_13] : memref<335872xi32, #tpu.memory_space<hbm>> -> memref<128xi32, #tpu.memory_space<hbm>>
      tpu.wait_dma2 semaphore(%run_scoped3A : memref<!tpu.dma_semaphore, #tpu.memory_space<semaphore_mem>>) src(%dma_wait3A_30 : memref<128xi32, #tpu.memory_space<hbm>>) dst(%arg6 : memref<128xi32, #tpu.memory_space<vmem>>)
      tpu.yield
    }) : () -> ()
    %add3A_14 = arith.constant 0 : i32
    %add3A_15 = arith.addi %mul3A_11, %add3A_14 : i32
    "tpu.region"() ({
      %run_scoped3A = tpu.sem_alloc : memref<!tpu.dma_semaphore, #tpu.memory_space<semaphore_mem>>
      %dma_start3A_28 = tpu.memref_slice %arg4[%add3A_15] : memref<335872xi32, #tpu.memory_space<hbm>> -> memref<128xi32, #tpu.memory_space<hbm>>
      %dma_start3A_29 = tpu.memref_slice %arg4[%add3A_15] : memref<335872xi32, #tpu.memory_space<hbm>> -> memref<128xi32, #tpu.memory_space<hbm>>
      tpu.enqueue_dma source(%dma_start3A_29 : memref<128xi32, #tpu.memory_space<hbm>>) target(%arg8 : memref<128xi32, #tpu.memory_space<vmem>>) target_semaphore(%run_scoped3A : memref<!tpu.dma_semaphore, #tpu.memory_space<semaphore_mem>>)
      %dma_wait3A = tpu.memref_slice %arg4[%add3A_15] : memref<335872xi32, #tpu.memory_space<hbm>> -> memref<128xi32, #tpu.memory_space<hbm>>
      %dma_wait3A_30 = tpu.memref_slice %arg4[%add3A_15] : memref<335872xi32, #tpu.memory_space<hbm>> -> memref<128xi32, #tpu.memory_space<hbm>>
      tpu.wait_dma2 semaphore(%run_scoped3A : memref<!tpu.dma_semaphore, #tpu.memory_space<semaphore_mem>>) src(%dma_wait3A_30 : memref<128xi32, #tpu.memory_space<hbm>>) dst(%arg8 : memref<128xi32, #tpu.memory_space<vmem>>)
      tpu.yield
    }) : () -> ()
    %dma_start3A = arith.constant 0 : i32
    %dma_start3A_16 = arith.constant 0 : i32
    %dma_start3A_17 = tpu.memref_slice %arg2[%dma_start3A, %dma_start3A_16] : memref<10240x128xf32, #tpu.memory_space<hbm>> -> memref<10240x128xf32, #tpu.memory_space<hbm>>
    tpu.enqueue_indirect_dma source(%dma_start3A_17 : memref<10240x128xf32, #tpu.memory_space<hbm>>) target(%arg10 : memref<128x128xf32, #tpu.memory_space<vmem>>) offsets(%arg6 : memref<128xi32, #tpu.memory_space<vmem>>) semaphore(%arg14 : memref<!tpu.dma_semaphore, #tpu.memory_space<semaphore_mem>>)
    %scan3A_18 = arith.constant 0 : i32
    %scan3A_19 = arith.constant 41 : i32
    %scan3A_20 = arith.addi %scan3A_18, %scan3A_19 : i32
    %scan3A_21 = arith.constant 1 : i32
    scf.for %scan3A_28 = %scan3A_18 to %scan3A_20 step %scan3A_21  : i32 {
      %mul3A_29 = arith.constant 256 : i32
      %mul3A_30 = arith.muli %scan3A_28, %mul3A_29 : i32
      %add3A_31 = arith.constant 0 : i32
      %add3A_32 = arith.addi %add3A_31, %mul3A_30 : i32
      %add3A_33 = arith.constant 0 : i32
      %add3A_34 = arith.addi %add3A_32, %add3A_33 : i32
      %add3A_35 = arith.constant 128 : i32
      %add3A_36 = arith.addi %add3A_34, %add3A_35 : i32
      %lt3A = arith.constant 10496 : i32
      %lt3A_37 = arith.cmpi slt, %add3A_36, %lt3A : i32
      %convert_element_type3A = arith.extui %lt3A_37 : i1 to i32
      %cond3A = arith.constant 0 : i32
      %cond3A_38 = arith.cmpi ne, %convert_element_type3A, %cond3A : i32
      scf.if %cond3A_38 {
        %add3A_53 = arith.addi %mul3A_11, %add3A_36 : i32
        "tpu.region"() ({
          %run_scoped3A = tpu.sem_alloc : memref<!tpu.dma_semaphore, #tpu.memory_space<semaphore_mem>>
          %dma_start3A_58 = tpu.memref_slice %arg3[%add3A_53] : memref<335872xi32, #tpu.memory_space<hbm>> -> memref<128xi32, #tpu.memory_space<hbm>>
          %dma_start3A_59 = tpu.memref_slice %arg3[%add3A_53] : memref<335872xi32, #tpu.memory_space<hbm>> -> memref<128xi32, #tpu.memory_space<hbm>>
          tpu.enqueue_dma source(%dma_start3A_59 : memref<128xi32, #tpu.memory_space<hbm>>) target(%arg7 : memref<128xi32, #tpu.memory_space<vmem>>) target_semaphore(%run_scoped3A : memref<!tpu.dma_semaphore, #tpu.memory_space<semaphore_mem>>)
          %dma_wait3A_60 = tpu.memref_slice %arg3[%add3A_53] : memref<335872xi32, #tpu.memory_space<hbm>> -> memref<128xi32, #tpu.memory_space<hbm>>
          %dma_wait3A_61 = tpu.memref_slice %arg3[%add3A_53] : memref<335872xi32, #tpu.memory_space<hbm>> -> memref<128xi32, #tpu.memory_space<hbm>>
          tpu.wait_dma2 semaphore(%run_scoped3A : memref<!tpu.dma_semaphore, #tpu.memory_space<semaphore_mem>>) src(%dma_wait3A_61 : memref<128xi32, #tpu.memory_space<hbm>>) dst(%arg7 : memref<128xi32, #tpu.memory_space<vmem>>)
          tpu.yield
        }) : () -> ()
        %add3A_54 = arith.addi %mul3A_11, %add3A_36 : i32
        "tpu.region"() ({
          %run_scoped3A = tpu.sem_alloc : memref<!tpu.dma_semaphore, #tpu.memory_space<semaphore_mem>>
          %dma_start3A_58 = tpu.memref_slice %arg4[%add3A_54] : memref<335872xi32, #tpu.memory_space<hbm>> -> memref<128xi32, #tpu.memory_space<hbm>>
          %dma_start3A_59 = tpu.memref_slice %arg4[%add3A_54] : memref<335872xi32, #tpu.memory_space<hbm>> -> memref<128xi32, #tpu.memory_space<hbm>>
          tpu.enqueue_dma source(%dma_start3A_59 : memref<128xi32, #tpu.memory_space<hbm>>) target(%arg9 : memref<128xi32, #tpu.memory_space<vmem>>) target_semaphore(%run_scoped3A : memref<!tpu.dma_semaphore, #tpu.memory_space<semaphore_mem>>)
          %dma_wait3A_60 = tpu.memref_slice %arg4[%add3A_54] : memref<335872xi32, #tpu.memory_space<hbm>> -> memref<128xi32, #tpu.memory_space<hbm>>
          %dma_wait3A_61 = tpu.memref_slice %arg4[%add3A_54] : memref<335872xi32, #tpu.memory_space<hbm>> -> memref<128xi32, #tpu.memory_space<hbm>>
          tpu.wait_dma2 semaphore(%run_scoped3A : memref<!tpu.dma_semaphore, #tpu.memory_space<semaphore_mem>>) src(%dma_wait3A_61 : memref<128xi32, #tpu.memory_space<hbm>>) dst(%arg9 : memref<128xi32, #tpu.memory_space<vmem>>)
          tpu.yield
        }) : () -> ()
        %dma_start3A_55 = arith.constant 0 : i32
        %dma_start3A_56 = arith.constant 0 : i32
        %dma_start3A_57 = tpu.memref_slice %arg2[%dma_start3A_55, %dma_start3A_56] : memref<10240x128xf32, #tpu.memory_space<hbm>> -> memref<10240x128xf32, #tpu.memory_space<hbm>>
        tpu.enqueue_indirect_dma source(%dma_start3A_57 : memref<10240x128xf32, #tpu.memory_space<hbm>>) target(%arg11 : memref<128x128xf32, #tpu.memory_space<vmem>>) offsets(%arg7 : memref<128xi32, #tpu.memory_space<vmem>>) semaphore(%arg15 : memref<!tpu.dma_semaphore, #tpu.memory_space<semaphore_mem>>)
      } else {
      }
      %dma_wait3A = arith.constant 0 : i32
      %dma_wait3A_39 = arith.constant 0 : i32
      %dma_wait3A_40 = tpu.memref_slice %arg2[%dma_wait3A, %dma_wait3A_39] : memref<10240x128xf32, #tpu.memory_space<hbm>> -> memref<10240x128xf32, #tpu.memory_space<hbm>>
      tpu.wait_indirect_dma semaphore(%arg14 : memref<!tpu.dma_semaphore, #tpu.memory_space<semaphore_mem>>) src(%dma_wait3A_40 : memref<10240x128xf32, #tpu.memory_space<hbm>>) dst(%arg10 : memref<128x128xf32, #tpu.memory_space<vmem>>)
      "tpu.region"() ({
        %run_scoped3A = tpu.sem_alloc : memref<!tpu.dma_semaphore, #tpu.memory_space<semaphore_mem>>
        %dma_start3A_53 = arith.constant 0 : i32
        %dma_start3A_54 = arith.constant 0 : i32
        %dma_start3A_55 = tpu.memref_slice %arg13[%dma_start3A_53, %dma_start3A_54] : memref<10240x128xf32, #tpu.memory_space<vmem_shared>> -> memref<10240x128xf32, #tpu.memory_space<vmem_shared>>
        tpu.enqueue_indirect_dma source(%arg10 : memref<128x128xf32, #tpu.memory_space<vmem>>) target(%dma_start3A_55 : memref<10240x128xf32, #tpu.memory_space<vmem_shared>>) offsets(%arg8 : memref<128xi32, #tpu.memory_space<vmem>>) semaphore(%run_scoped3A : memref<!tpu.dma_semaphore, #tpu.memory_space<semaphore_mem>>) {add = true}
        %dma_wait3A_56 = arith.constant 0 : i32
        %dma_wait3A_57 = arith.constant 0 : i32
        %dma_wait3A_58 = tpu.memref_slice %arg13[%dma_wait3A_56, %dma_wait3A_57] : memref<10240x128xf32, #tpu.memory_space<vmem_shared>> -> memref<10240x128xf32, #tpu.memory_space<vmem_shared>>
        tpu.wait_indirect_dma semaphore(%run_scoped3A : memref<!tpu.dma_semaphore, #tpu.memory_space<semaphore_mem>>) src(%arg10 : memref<128x128xf32, #tpu.memory_space<vmem>>) dst(%dma_wait3A_58 : memref<10240x128xf32, #tpu.memory_space<vmem_shared>>)
        tpu.yield
      }) : () -> ()
      %add3A_41 = arith.constant 128 : i32
      %add3A_42 = arith.addi %add3A_32, %add3A_41 : i32
      %add3A_43 = arith.constant 128 : i32
      %add3A_44 = arith.addi %add3A_42, %add3A_43 : i32
      %lt3A_45 = arith.constant 10496 : i32
      %lt3A_46 = arith.cmpi slt, %add3A_44, %lt3A_45 : i32
      %convert_element_type3A_47 = arith.extui %lt3A_46 : i1 to i32
      %cond3A_48 = arith.constant 0 : i32
      %cond3A_49 = arith.cmpi ne, %convert_element_type3A_47, %cond3A_48 : i32
      scf.if %cond3A_49 {
        %add3A_53 = arith.addi %mul3A_11, %add3A_44 : i32
        "tpu.region"() ({
          %run_scoped3A = tpu.sem_alloc : memref<!tpu.dma_semaphore, #tpu.memory_space<semaphore_mem>>
          %dma_start3A_58 = tpu.memref_slice %arg3[%add3A_53] : memref<335872xi32, #tpu.memory_space<hbm>> -> memref<128xi32, #tpu.memory_space<hbm>>
          %dma_start3A_59 = tpu.memref_slice %arg3[%add3A_53] : memref<335872xi32, #tpu.memory_space<hbm>> -> memref<128xi32, #tpu.memory_space<hbm>>
          tpu.enqueue_dma source(%dma_start3A_59 : memref<128xi32, #tpu.memory_space<hbm>>) target(%arg6 : memref<128xi32, #tpu.memory_space<vmem>>) target_semaphore(%run_scoped3A : memref<!tpu.dma_semaphore, #tpu.memory_space<semaphore_mem>>)
          %dma_wait3A_60 = tpu.memref_slice %arg3[%add3A_53] : memref<335872xi32, #tpu.memory_space<hbm>> -> memref<128xi32, #tpu.memory_space<hbm>>
          %dma_wait3A_61 = tpu.memref_slice %arg3[%add3A_53] : memref<335872xi32, #tpu.memory_space<hbm>> -> memref<128xi32, #tpu.memory_space<hbm>>
          tpu.wait_dma2 semaphore(%run_scoped3A : memref<!tpu.dma_semaphore, #tpu.memory_space<semaphore_mem>>) src(%dma_wait3A_61 : memref<128xi32, #tpu.memory_space<hbm>>) dst(%arg6 : memref<128xi32, #tpu.memory_space<vmem>>)
          tpu.yield
        }) : () -> ()
        %add3A_54 = arith.addi %mul3A_11, %add3A_44 : i32
        "tpu.region"() ({
          %run_scoped3A = tpu.sem_alloc : memref<!tpu.dma_semaphore, #tpu.memory_space<semaphore_mem>>
          %dma_start3A_58 = tpu.memref_slice %arg4[%add3A_54] : memref<335872xi32, #tpu.memory_space<hbm>> -> memref<128xi32, #tpu.memory_space<hbm>>
          %dma_start3A_59 = tpu.memref_slice %arg4[%add3A_54] : memref<335872xi32, #tpu.memory_space<hbm>> -> memref<128xi32, #tpu.memory_space<hbm>>
          tpu.enqueue_dma source(%dma_start3A_59 : memref<128xi32, #tpu.memory_space<hbm>>) target(%arg8 : memref<128xi32, #tpu.memory_space<vmem>>) target_semaphore(%run_scoped3A : memref<!tpu.dma_semaphore, #tpu.memory_space<semaphore_mem>>)
          %dma_wait3A_60 = tpu.memref_slice %arg4[%add3A_54] : memref<335872xi32, #tpu.memory_space<hbm>> -> memref<128xi32, #tpu.memory_space<hbm>>
          %dma_wait3A_61 = tpu.memref_slice %arg4[%add3A_54] : memref<335872xi32, #tpu.memory_space<hbm>> -> memref<128xi32, #tpu.memory_space<hbm>>
          tpu.wait_dma2 semaphore(%run_scoped3A : memref<!tpu.dma_semaphore, #tpu.memory_space<semaphore_mem>>) src(%dma_wait3A_61 : memref<128xi32, #tpu.memory_space<hbm>>) dst(%arg8 : memref<128xi32, #tpu.memory_space<vmem>>)
          tpu.yield
        }) : () -> ()
        %dma_start3A_55 = arith.constant 0 : i32
        %dma_start3A_56 = arith.constant 0 : i32
        %dma_start3A_57 = tpu.memref_slice %arg2[%dma_start3A_55, %dma_start3A_56] : memref<10240x128xf32, #tpu.memory_space<hbm>> -> memref<10240x128xf32, #tpu.memory_space<hbm>>
        tpu.enqueue_indirect_dma source(%dma_start3A_57 : memref<10240x128xf32, #tpu.memory_space<hbm>>) target(%arg10 : memref<128x128xf32, #tpu.memory_space<vmem>>) offsets(%arg6 : memref<128xi32, #tpu.memory_space<vmem>>) semaphore(%arg14 : memref<!tpu.dma_semaphore, #tpu.memory_space<semaphore_mem>>)
      } else {
      }
      %dma_wait3A_50 = arith.constant 0 : i32
      %dma_wait3A_51 = arith.constant 0 : i32
      %dma_wait3A_52 = tpu.memref_slice %arg2[%dma_wait3A_50, %dma_wait3A_51] : memref<10240x128xf32, #tpu.memory_space<hbm>> -> memref<10240x128xf32, #tpu.memory_space<hbm>>
      tpu.wait_indirect_dma semaphore(%arg15 : memref<!tpu.dma_semaphore, #tpu.memory_space<semaphore_mem>>) src(%dma_wait3A_52 : memref<10240x128xf32, #tpu.memory_space<hbm>>) dst(%arg11 : memref<128x128xf32, #tpu.memory_space<vmem>>)
      "tpu.region"() ({
        %run_scoped3A = tpu.sem_alloc : memref<!tpu.dma_semaphore, #tpu.memory_space<semaphore_mem>>
        %dma_start3A_53 = arith.constant 0 : i32
        %dma_start3A_54 = arith.constant 0 : i32
        %dma_start3A_55 = tpu.memref_slice %arg13[%dma_start3A_53, %dma_start3A_54] : memref<10240x128xf32, #tpu.memory_space<vmem_shared>> -> memref<10240x128xf32, #tpu.memory_space<vmem_shared>>
        tpu.enqueue_indirect_dma source(%arg11 : memref<128x128xf32, #tpu.memory_space<vmem>>) target(%dma_start3A_55 : memref<10240x128xf32, #tpu.memory_space<vmem_shared>>) offsets(%arg9 : memref<128xi32, #tpu.memory_space<vmem>>) semaphore(%run_scoped3A : memref<!tpu.dma_semaphore, #tpu.memory_space<semaphore_mem>>) {add = true}
        %dma_wait3A_56 = arith.constant 0 : i32
        %dma_wait3A_57 = arith.constant 0 : i32
        %dma_wait3A_58 = tpu.memref_slice %arg13[%dma_wait3A_56, %dma_wait3A_57] : memref<10240x128xf32, #tpu.memory_space<vmem_shared>> -> memref<10240x128xf32, #tpu.memory_space<vmem_shared>>
        tpu.wait_indirect_dma semaphore(%run_scoped3A : memref<!tpu.dma_semaphore, #tpu.memory_space<semaphore_mem>>) src(%arg11 : memref<128x128xf32, #tpu.memory_space<vmem>>) dst(%dma_wait3A_58 : memref<10240x128xf32, #tpu.memory_space<vmem_shared>>)
        tpu.yield
      }) : () -> ()
    }
    %scan3A_22 = arith.constant 41 : i32
    %barrier3A_23 = arith.constant 0 : index
    tpu.barrier barrier_id(%barrier3A_23)
    %mul3A_24 = arith.constant 640 : i32
    %mul3A_25 = arith.muli %arg1, %mul3A_24 : i32
    %mul3A_26 = arith.constant 640 : i32
    %mul3A_27 = arith.muli %arg1, %mul3A_26 : i32
    "tpu.region"() ({
      %run_scoped3A = tpu.sem_alloc : memref<!tpu.dma_semaphore, #tpu.memory_space<semaphore_mem>>
      %dma_start3A_28 = arith.constant 0 : i32
      %dma_start3A_29 = arith.constant 0 : i32
      %dma_start3A_30 = tpu.memref_slice %arg5[%arg0, %dma_start3A_28, %dma_start3A_29] : memref<2x10240x128xf32, #tpu.memory_space<hbm>> -> memref<1x10240x128xf32, #tpu.memory_space<hbm>>
      %dma_start3A_31 = tpu.memref_squeeze %dma_start3A_30 : memref<1x10240x128xf32, #tpu.memory_space<hbm>> -> memref<10240x128xf32, #tpu.memory_space<hbm>>
      %dma_start3A_32 = arith.constant 0 : i32
      %dma_start3A_33 = tpu.memref_slice %dma_start3A_31[%mul3A_27, %dma_start3A_32] : memref<10240x128xf32, #tpu.memory_space<hbm>> -> memref<640x128xf32, #tpu.memory_space<hbm>>
      %dma_start3A_34 = arith.constant 0 : i32
      %dma_start3A_35 = tpu.memref_slice %arg13[%mul3A_25, %dma_start3A_34] : memref<10240x128xf32, #tpu.memory_space<vmem_shared>> -> memref<640x128xf32, #tpu.memory_space<vmem_shared>>
      tpu.enqueue_dma source(%dma_start3A_35 : memref<640x128xf32, #tpu.memory_space<vmem_shared>>) target(%dma_start3A_33 : memref<640x128xf32, #tpu.memory_space<hbm>>) target_semaphore(%run_scoped3A : memref<!tpu.dma_semaphore, #tpu.memory_space<semaphore_mem>>)
      %dma_wait3A = arith.constant 0 : i32
      %dma_wait3A_36 = arith.constant 0 : i32
      %dma_wait3A_37 = tpu.memref_slice %arg5[%arg0, %dma_wait3A, %dma_wait3A_36] : memref<2x10240x128xf32, #tpu.memory_space<hbm>> -> memref<1x10240x128xf32, #tpu.memory_space<hbm>>
      %dma_wait3A_38 = tpu.memref_squeeze %dma_wait3A_37 : memref<1x10240x128xf32, #tpu.memory_space<hbm>> -> memref<10240x128xf32, #tpu.memory_space<hbm>>
      %dma_wait3A_39 = arith.constant 0 : i32
      %dma_wait3A_40 = tpu.memref_slice %dma_wait3A_38[%mul3A_27, %dma_wait3A_39] : memref<10240x128xf32, #tpu.memory_space<hbm>> -> memref<640x128xf32, #tpu.memory_space<hbm>>
      %dma_wait3A_41 = arith.constant 0 : i32
      %dma_wait3A_42 = tpu.memref_slice %arg13[%mul3A_25, %dma_wait3A_41] : memref<10240x128xf32, #tpu.memory_space<vmem_shared>> -> memref<640x128xf32, #tpu.memory_space<vmem_shared>>
      tpu.wait_dma2 semaphore(%run_scoped3A : memref<!tpu.dma_semaphore, #tpu.memory_space<semaphore_mem>>) src(%dma_wait3A_42 : memref<640x128xf32, #tpu.memory_space<vmem_shared>>) dst(%dma_wait3A_40 : memref<640x128xf32, #tpu.memory_space<hbm>>)
      tpu.yield
    }) : () -> ()
    return
  }
}

#map = affine_map<(d0, d1) -> (0, 0, 0)>
module attributes {stable_mosaic.version = 14 : i64} {
  func.func @deg_kernel(%arg0: i32, %arg1: i32, %arg2: memref<32x82x128xi32, #tpu.memory_space<hbm>>, %arg3: memref<2x10240x16xf32, #tpu.memory_space<hbm>>, %arg4: memref<82x128xi32, #tpu.memory_space<vmem>>, %arg5: memref<128x16xf32, #tpu.memory_space<vmem>>, %arg6: memref<64x16xf32, #tpu.memory_space<vmem>>, %arg7: memref<10240x16xf32, #tpu.memory_space<vmem_shared>>) attributes {dimension_semantics = [#tpu.dimension_semantics<core_parallel>, #tpu.dimension_semantics<subcore_parallel>], iteration_bounds = array<i64: 2, 16>, scalar_prefetch = 0 : i64, scratch_operands = 4 : i64, tpu.core_type = #tpu.core_type<sc_vector_subcore>, window_params = [{transform_indices = #map}, {transform_indices = #map}]} {
    %mul3A = arith.constant 2 : i32
    %mul3A_0 = arith.muli %arg1, %mul3A : i32
    %add3A = arith.addi %mul3A_0, %arg0 : i32
    "tpu.region"() ({
      %run_scoped3A = tpu.sem_alloc : memref<!tpu.dma_semaphore, #tpu.memory_space<semaphore_mem>>
      %dma_start3A = arith.constant 0 : i32
      %dma_start3A_25 = arith.constant 0 : i32
      %dma_start3A_26 = tpu.memref_slice %arg2[%add3A, %dma_start3A, %dma_start3A_25] : memref<32x82x128xi32, #tpu.memory_space<hbm>> -> memref<1x82x128xi32, #tpu.memory_space<hbm>>
      %dma_start3A_27 = tpu.memref_squeeze %dma_start3A_26 : memref<1x82x128xi32, #tpu.memory_space<hbm>> -> memref<82x128xi32, #tpu.memory_space<hbm>>
      %dma_start3A_28 = arith.constant 0 : i32
      %dma_start3A_29 = arith.constant 0 : i32
      %dma_start3A_30 = tpu.memref_slice %arg2[%add3A, %dma_start3A_28, %dma_start3A_29] : memref<32x82x128xi32, #tpu.memory_space<hbm>> -> memref<1x82x128xi32, #tpu.memory_space<hbm>>
      %dma_start3A_31 = tpu.memref_squeeze %dma_start3A_30 : memref<1x82x128xi32, #tpu.memory_space<hbm>> -> memref<82x128xi32, #tpu.memory_space<hbm>>
      tpu.enqueue_dma source(%dma_start3A_31 : memref<82x128xi32, #tpu.memory_space<hbm>>) target(%arg4 : memref<82x128xi32, #tpu.memory_space<vmem>>) target_semaphore(%run_scoped3A : memref<!tpu.dma_semaphore, #tpu.memory_space<semaphore_mem>>)
      %dma_wait3A = arith.constant 0 : i32
      %dma_wait3A_32 = arith.constant 0 : i32
      %dma_wait3A_33 = tpu.memref_slice %arg2[%add3A, %dma_wait3A, %dma_wait3A_32] : memref<32x82x128xi32, #tpu.memory_space<hbm>> -> memref<1x82x128xi32, #tpu.memory_space<hbm>>
      %dma_wait3A_34 = tpu.memref_squeeze %dma_wait3A_33 : memref<1x82x128xi32, #tpu.memory_space<hbm>> -> memref<82x128xi32, #tpu.memory_space<hbm>>
      %dma_wait3A_35 = arith.constant 0 : i32
      %dma_wait3A_36 = arith.constant 0 : i32
      %dma_wait3A_37 = tpu.memref_slice %arg2[%add3A, %dma_wait3A_35, %dma_wait3A_36] : memref<32x82x128xi32, #tpu.memory_space<hbm>> -> memref<1x82x128xi32, #tpu.memory_space<hbm>>
      %dma_wait3A_38 = tpu.memref_squeeze %dma_wait3A_37 : memref<1x82x128xi32, #tpu.memory_space<hbm>> -> memref<82x128xi32, #tpu.memory_space<hbm>>
      tpu.wait_dma2 semaphore(%run_scoped3A : memref<!tpu.dma_semaphore, #tpu.memory_space<semaphore_mem>>) src(%dma_wait3A_38 : memref<82x128xi32, #tpu.memory_space<hbm>>) dst(%arg4 : memref<82x128xi32, #tpu.memory_space<vmem>>)
      tpu.yield
    }) : () -> ()
    %scan3A = arith.constant 0 : i32
    %scan3A_1 = arith.constant 64 : i32
    %scan3A_2 = arith.addi %scan3A, %scan3A_1 : i32
    %scan3A_3 = arith.constant 1 : i32
    scf.for %scan3A_25 = %scan3A to %scan3A_2 step %scan3A_3  : i32 {
      %mul3A_26 = arith.constant 1 : i32
      %mul3A_27 = arith.muli %scan3A_25, %mul3A_26 : i32
      %add3A_28 = arith.constant 0 : i32
      %add3A_29 = arith.addi %add3A_28, %mul3A_27 : i32
      %broadcast_in_dim3A = arith.constant 0.000000e+00 : f32
      %broadcast_in_dim3A_30 = vector.broadcast %broadcast_in_dim3A : f32 to vector<16xf32>
      %swap3A = arith.index_cast %add3A_29 : i32 to index
      %swap3A_31 = arith.constant 0 : index
      %swap3A_32 = tpu.vector_load %arg6[%swap3A, %swap3A_31] {strides = array<i32>} : memref<64x16xf32, #tpu.memory_space<vmem>>, vector<1x16xf32>,
      %swap3A_33 = vector.shape_cast %swap3A_32 : vector<1x16xf32> to vector<16xf32>
      %swap3A_34 = vector.shape_cast %broadcast_in_dim3A_30 : vector<16xf32> to vector<1x16xf32>
      tpu.vector_store %arg6[%swap3A, %swap3A_31], %swap3A_34 {strides = array<i32>} : memref<64x16xf32, #tpu.memory_space<vmem>>, vector<1x16xf32>,
    }
    %scan3A_4 = arith.constant 64 : i32
    %scan3A_5 = arith.constant 0 : i32
    %scan3A_6 = arith.constant 128 : i32
    %scan3A_7 = arith.addi %scan3A_5, %scan3A_6 : i32
    %scan3A_8 = arith.constant 1 : i32
    scf.for %scan3A_25 = %scan3A_5 to %scan3A_7 step %scan3A_8  : i32 {
      %mul3A_26 = arith.constant 1 : i32
      %mul3A_27 = arith.muli %scan3A_25, %mul3A_26 : i32
      %add3A_28 = arith.constant 0 : i32
      %add3A_29 = arith.addi %add3A_28, %mul3A_27 : i32
      %broadcast_in_dim3A = arith.constant 1.000000e+00 : f32
      %broadcast_in_dim3A_30 = vector.broadcast %broadcast_in_dim3A : f32 to vector<16xf32>
      %swap3A = arith.index_cast %add3A_29 : i32 to index
      %swap3A_31 = arith.constant 0 : index
      %swap3A_32 = tpu.vector_load %arg5[%swap3A, %swap3A_31] {strides = array<i32>} : memref<128x16xf32, #tpu.memory_space<vmem>>, vector<1x16xf32>,
      %swap3A_33 = vector.shape_cast %swap3A_32 : vector<1x16xf32> to vector<16xf32>
      %swap3A_34 = vector.shape_cast %broadcast_in_dim3A_30 : vector<16xf32> to vector<1x16xf32>
      tpu.vector_store %arg5[%swap3A, %swap3A_31], %swap3A_34 {strides = array<i32>} : memref<128x16xf32, #tpu.memory_space<vmem>>, vector<1x16xf32>,
    }
    %scan3A_9 = arith.constant 128 : i32
    %scan3A_10 = arith.constant 0 : i32
    %scan3A_11 = arith.constant 10 : i32
    %scan3A_12 = arith.addi %scan3A_10, %scan3A_11 : i32
    %scan3A_13 = arith.constant 1 : i32
    scf.for %scan3A_25 = %scan3A_10 to %scan3A_12 step %scan3A_13  : i32 {
      %mul3A_26 = arith.constant 64 : i32
      %mul3A_27 = arith.muli %scan3A_25, %mul3A_26 : i32
      %add3A_28 = arith.constant 0 : i32
      %add3A_29 = arith.addi %add3A_28, %mul3A_27 : i32
      %mul3A_30 = arith.constant 640 : i32
      %mul3A_31 = arith.muli %arg1, %mul3A_30 : i32
      %add3A_32 = arith.addi %mul3A_31, %add3A_29 : i32
      "tpu.region"() ({
        %run_scoped3A = tpu.sem_alloc : memref<!tpu.dma_semaphore, #tpu.memory_space<semaphore_mem>>
        %dma_start3A = arith.constant 0 : i32
        %dma_start3A_33 = tpu.memref_slice %arg7[%add3A_32, %dma_start3A] : memref<10240x16xf32, #tpu.memory_space<vmem_shared>> -> memref<64x16xf32, #tpu.memory_space<vmem_shared>>
        %dma_start3A_34 = arith.constant 0 : i32
        %dma_start3A_35 = tpu.memref_slice %arg7[%add3A_32, %dma_start3A_34] : memref<10240x16xf32, #tpu.memory_space<vmem_shared>> -> memref<64x16xf32, #tpu.memory_space<vmem_shared>>
        tpu.enqueue_dma source(%arg6 : memref<64x16xf32, #tpu.memory_space<vmem>>) target(%dma_start3A_35 : memref<64x16xf32, #tpu.memory_space<vmem_shared>>) target_semaphore(%run_scoped3A : memref<!tpu.dma_semaphore, #tpu.memory_space<semaphore_mem>>)
        %dma_wait3A = arith.constant 0 : i32
        %dma_wait3A_36 = tpu.memref_slice %arg7[%add3A_32, %dma_wait3A] : memref<10240x16xf32, #tpu.memory_space<vmem_shared>> -> memref<64x16xf32, #tpu.memory_space<vmem_shared>>
        %dma_wait3A_37 = arith.constant 0 : i32
        %dma_wait3A_38 = tpu.memref_slice %arg7[%add3A_32, %dma_wait3A_37] : memref<10240x16xf32, #tpu.memory_space<vmem_shared>> -> memref<64x16xf32, #tpu.memory_space<vmem_shared>>
        tpu.wait_dma2 semaphore(%run_scoped3A : memref<!tpu.dma_semaphore, #tpu.memory_space<semaphore_mem>>) src(%arg6 : memref<64x16xf32, #tpu.memory_space<vmem>>) dst(%dma_wait3A_38 : memref<64x16xf32, #tpu.memory_space<vmem_shared>>)
        tpu.yield
      }) : () -> ()
    }
    %scan3A_14 = arith.constant 10 : i32
    %barrier3A = arith.constant 0 : index
    tpu.barrier barrier_id(%barrier3A)
    %scan3A_15 = arith.constant 0 : i32
    %scan3A_16 = arith.constant 82 : i32
    %scan3A_17 = arith.addi %scan3A_15, %scan3A_16 : i32
    %scan3A_18 = arith.constant 1 : i32
    scf.for %scan3A_25 = %scan3A_15 to %scan3A_17 step %scan3A_18  : i32 {
      %mul3A_26 = arith.constant 1 : i32
      %mul3A_27 = arith.muli %scan3A_25, %mul3A_26 : i32
      %add3A_28 = arith.constant 0 : i32
      %add3A_29 = arith.addi %add3A_28, %mul3A_27 : i32
      "tpu.region"() ({
        %run_scoped3A = tpu.sem_alloc : memref<!tpu.dma_semaphore, #tpu.memory_space<semaphore_mem>>
        %dma_start3A = arith.constant 0 : i32
        %dma_start3A_30 = tpu.memref_slice %arg4[%add3A_29, %dma_start3A] : memref<82x128xi32, #tpu.memory_space<vmem>> -> memref<1x128xi32, #tpu.memory_space<vmem>>
        %dma_start3A_31 = tpu.memref_squeeze %dma_start3A_30 : memref<1x128xi32, #tpu.memory_space<vmem>> -> memref<128xi32, #tpu.memory_space<vmem>>
        %dma_start3A_32 = arith.constant 0 : i32
        %dma_start3A_33 = arith.constant 0 : i32
        %dma_start3A_34 = tpu.memref_slice %arg7[%dma_start3A_32, %dma_start3A_33] : memref<10240x16xf32, #tpu.memory_space<vmem_shared>> -> memref<10240x16xf32, #tpu.memory_space<vmem_shared>>
        tpu.enqueue_indirect_dma source(%arg5 : memref<128x16xf32, #tpu.memory_space<vmem>>) target(%dma_start3A_34 : memref<10240x16xf32, #tpu.memory_space<vmem_shared>>) offsets(%dma_start3A_31 : memref<128xi32, #tpu.memory_space<vmem>>) semaphore(%run_scoped3A : memref<!tpu.dma_semaphore, #tpu.memory_space<semaphore_mem>>) {add = true}
        %dma_wait3A = arith.constant 0 : i32
        %dma_wait3A_35 = tpu.memref_slice %arg4[%add3A_29, %dma_wait3A] : memref<82x128xi32, #tpu.memory_space<vmem>> -> memref<1x128xi32, #tpu.memory_space<vmem>>
        %dma_wait3A_36 = tpu.memref_squeeze %dma_wait3A_35 : memref<1x128xi32, #tpu.memory_space<vmem>> -> memref<128xi32, #tpu.memory_space<vmem>>
        %dma_wait3A_37 = arith.constant 0 : i32
        %dma_wait3A_38 = arith.constant 0 : i32
        %dma_wait3A_39 = tpu.memref_slice %arg7[%dma_wait3A_37, %dma_wait3A_38] : memref<10240x16xf32, #tpu.memory_space<vmem_shared>> -> memref<10240x16xf32, #tpu.memory_space<vmem_shared>>
        tpu.wait_indirect_dma semaphore(%run_scoped3A : memref<!tpu.dma_semaphore, #tpu.memory_space<semaphore_mem>>) src(%arg5 : memref<128x16xf32, #tpu.memory_space<vmem>>) dst(%dma_wait3A_39 : memref<10240x16xf32, #tpu.memory_space<vmem_shared>>)
        tpu.yield
      }) : () -> ()
    }
    %scan3A_19 = arith.constant 82 : i32
    %barrier3A_20 = arith.constant 0 : index
    tpu.barrier barrier_id(%barrier3A_20)
    %mul3A_21 = arith.constant 640 : i32
    %mul3A_22 = arith.muli %arg1, %mul3A_21 : i32
    %mul3A_23 = arith.constant 640 : i32
    %mul3A_24 = arith.muli %arg1, %mul3A_23 : i32
    "tpu.region"() ({
      %run_scoped3A = tpu.sem_alloc : memref<!tpu.dma_semaphore, #tpu.memory_space<semaphore_mem>>
      %dma_start3A = arith.constant 0 : i32
      %dma_start3A_25 = arith.constant 0 : i32
      %dma_start3A_26 = tpu.memref_slice %arg3[%arg0, %dma_start3A, %dma_start3A_25] : memref<2x10240x16xf32, #tpu.memory_space<hbm>> -> memref<1x10240x16xf32, #tpu.memory_space<hbm>>
      %dma_start3A_27 = tpu.memref_squeeze %dma_start3A_26 : memref<1x10240x16xf32, #tpu.memory_space<hbm>> -> memref<10240x16xf32, #tpu.memory_space<hbm>>
      %dma_start3A_28 = arith.constant 0 : i32
      %dma_start3A_29 = tpu.memref_slice %dma_start3A_27[%mul3A_24, %dma_start3A_28] : memref<10240x16xf32, #tpu.memory_space<hbm>> -> memref<640x16xf32, #tpu.memory_space<hbm>>
      %dma_start3A_30 = arith.constant 0 : i32
      %dma_start3A_31 = tpu.memref_slice %arg7[%mul3A_22, %dma_start3A_30] : memref<10240x16xf32, #tpu.memory_space<vmem_shared>> -> memref<640x16xf32, #tpu.memory_space<vmem_shared>>
      tpu.enqueue_dma source(%dma_start3A_31 : memref<640x16xf32, #tpu.memory_space<vmem_shared>>) target(%dma_start3A_29 : memref<640x16xf32, #tpu.memory_space<hbm>>) target_semaphore(%run_scoped3A : memref<!tpu.dma_semaphore, #tpu.memory_space<semaphore_mem>>)
      %dma_wait3A = arith.constant 0 : i32
      %dma_wait3A_32 = arith.constant 0 : i32
      %dma_wait3A_33 = tpu.memref_slice %arg3[%arg0, %dma_wait3A, %dma_wait3A_32] : memref<2x10240x16xf32, #tpu.memory_space<hbm>> -> memref<1x10240x16xf32, #tpu.memory_space<hbm>>
      %dma_wait3A_34 = tpu.memref_squeeze %dma_wait3A_33 : memref<1x10240x16xf32, #tpu.memory_space<hbm>> -> memref<10240x16xf32, #tpu.memory_space<hbm>>
      %dma_wait3A_35 = arith.constant 0 : i32
      %dma_wait3A_36 = tpu.memref_slice %dma_wait3A_34[%mul3A_24, %dma_wait3A_35] : memref<10240x16xf32, #tpu.memory_space<hbm>> -> memref<640x16xf32, #tpu.memory_space<hbm>>
      %dma_wait3A_37 = arith.constant 0 : i32
      %dma_wait3A_38 = tpu.memref_slice %arg7[%mul3A_22, %dma_wait3A_37] : memref<10240x16xf32, #tpu.memory_space<vmem_shared>> -> memref<640x16xf32, #tpu.memory_space<vmem_shared>>
      tpu.wait_dma2 semaphore(%run_scoped3A : memref<!tpu.dma_semaphore, #tpu.memory_space<semaphore_mem>>) src(%dma_wait3A_38 : memref<640x16xf32, #tpu.memory_space<vmem_shared>>) dst(%dma_wait3A_36 : memref<640x16xf32, #tpu.memory_space<hbm>>)
      tpu.yield
    }) : () -> ()
    return
  }
}

#map = affine_map<(d0, d1) -> (0, 0)>
#map1 = affine_map<(d0, d1) -> (0)>
#map2 = affine_map<(d0, d1) -> (0, 0, 0)>
module attributes {stable_mosaic.version = 14 : i64} {
  func.func @agg_kernel(%arg0: i32, %arg1: i32, %arg2: memref<10240x64xf32, #tpu.memory_space<hbm>>, %arg3: memref<335872xi32, #tpu.memory_space<hbm>>, %arg4: memref<335872xi32, #tpu.memory_space<hbm>>, %arg5: memref<2x10240x64xf32, #tpu.memory_space<hbm>>, %arg6: memref<128xi32, #tpu.memory_space<vmem>>, %arg7: memref<128xi32, #tpu.memory_space<vmem>>, %arg8: memref<128xi32, #tpu.memory_space<vmem>>, %arg9: memref<128xi32, #tpu.memory_space<vmem>>, %arg10: memref<128x64xf32, #tpu.memory_space<vmem>>, %arg11: memref<128x64xf32, #tpu.memory_space<vmem>>, %arg12: memref<64x64xf32, #tpu.memory_space<vmem>>, %arg13: memref<10240x64xf32, #tpu.memory_space<vmem_shared>>, %arg14: memref<!tpu.dma_semaphore, #tpu.memory_space<semaphore_mem>>, %arg15: memref<!tpu.dma_semaphore, #tpu.memory_space<semaphore_mem>>) attributes {dimension_semantics = [#tpu.dimension_semantics<core_parallel>, #tpu.dimension_semantics<subcore_parallel>], iteration_bounds = array<i64: 2, 16>, scalar_prefetch = 0 : i64, scratch_operands = 10 : i64, tpu.core_type = #tpu.core_type<sc_vector_subcore>, window_params = [{transform_indices = #map}, {transform_indices = #map1}, {transform_indices = #map1}, {transform_indices = #map2}]} {
    %mul3A = arith.constant 2 : i32
    %mul3A_0 = arith.muli %arg1, %mul3A : i32
    %add3A = arith.addi %mul3A_0, %arg0 : i32
    %scan3A = arith.constant 0 : i32
    %scan3A_1 = arith.constant 64 : i32
    %scan3A_2 = arith.addi %scan3A, %scan3A_1 : i32
    %scan3A_3 = arith.constant 1 : i32
    scf.for %scan3A_28 = %scan3A to %scan3A_2 step %scan3A_3  : i32 {
      %mul3A_29 = arith.constant 1 : i32
      %mul3A_30 = arith.muli %scan3A_28, %mul3A_29 : i32
      %add3A_31 = arith.constant 0 : i32
      %add3A_32 = arith.addi %add3A_31, %mul3A_30 : i32
      %scan3A_33 = arith.constant 0 : i32
      %scan3A_34 = arith.constant 4 : i32
      %scan3A_35 = arith.addi %scan3A_33, %scan3A_34 : i32
      %scan3A_36 = arith.constant 1 : i32
      scf.for %scan3A_38 = %scan3A_33 to %scan3A_35 step %scan3A_36  : i32 {
        %mul3A_39 = arith.constant 16 : i32
        %mul3A_40 = arith.muli %scan3A_38, %mul3A_39 : i32
        %add3A_41 = arith.constant 0 : i32
        %add3A_42 = arith.addi %add3A_41, %mul3A_40 : i32
        %broadcast_in_dim3A = arith.constant 0.000000e+00 : f32
        %broadcast_in_dim3A_43 = vector.broadcast %broadcast_in_dim3A : f32 to vector<16xf32>
        %swap3A = arith.index_cast %add3A_32 : i32 to index
        %swap3A_44 = arith.index_cast %add3A_42 : i32 to index
        %swap3A_45 = tpu.vector_load %arg12[%swap3A, %swap3A_44] {strides = array<i32>} : memref<64x64xf32, #tpu.memory_space<vmem>>, vector<1x16xf32>,
        %swap3A_46 = vector.shape_cast %swap3A_45 : vector<1x16xf32> to vector<16xf32>
        %swap3A_47 = vector.shape_cast %broadcast_in_dim3A_43 : vector<16xf32> to vector<1x16xf32>
        tpu.vector_store %arg12[%swap3A, %swap3A_44], %swap3A_47 {strides = array<i32>} : memref<64x64xf32, #tpu.memory_space<vmem>>, vector<1x16xf32>,
      }
      %scan3A_37 = arith.constant 4 : i32
    }
    %scan3A_4 = arith.constant 64 : i32
    %scan3A_5 = arith.constant 0 : i32
    %scan3A_6 = arith.constant 10 : i32
    %scan3A_7 = arith.addi %scan3A_5, %scan3A_6 : i32
    %scan3A_8 = arith.constant 1 : i32
    scf.for %scan3A_28 = %scan3A_5 to %scan3A_7 step %scan3A_8  : i32 {
      %mul3A_29 = arith.constant 64 : i32
      %mul3A_30 = arith.muli %scan3A_28, %mul3A_29 : i32
      %add3A_31 = arith.constant 0 : i32
      %add3A_32 = arith.addi %add3A_31, %mul3A_30 : i32
      %mul3A_33 = arith.constant 640 : i32
      %mul3A_34 = arith.muli %arg1, %mul3A_33 : i32
      %add3A_35 = arith.addi %mul3A_34, %add3A_32 : i32
      "tpu.region"() ({
        %run_scoped3A = tpu.sem_alloc : memref<!tpu.dma_semaphore, #tpu.memory_space<semaphore_mem>>
        %dma_start3A_36 = arith.constant 0 : i32
        %dma_start3A_37 = tpu.memref_slice %arg13[%add3A_35, %dma_start3A_36] : memref<10240x64xf32, #tpu.memory_space<vmem_shared>> -> memref<64x64xf32, #tpu.memory_space<vmem_shared>>
        %dma_start3A_38 = arith.constant 0 : i32
        %dma_start3A_39 = tpu.memref_slice %arg13[%add3A_35, %dma_start3A_38] : memref<10240x64xf32, #tpu.memory_space<vmem_shared>> -> memref<64x64xf32, #tpu.memory_space<vmem_shared>>
        tpu.enqueue_dma source(%arg12 : memref<64x64xf32, #tpu.memory_space<vmem>>) target(%dma_start3A_39 : memref<64x64xf32, #tpu.memory_space<vmem_shared>>) target_semaphore(%run_scoped3A : memref<!tpu.dma_semaphore, #tpu.memory_space<semaphore_mem>>)
        %dma_wait3A = arith.constant 0 : i32
        %dma_wait3A_40 = tpu.memref_slice %arg13[%add3A_35, %dma_wait3A] : memref<10240x64xf32, #tpu.memory_space<vmem_shared>> -> memref<64x64xf32, #tpu.memory_space<vmem_shared>>
        %dma_wait3A_41 = arith.constant 0 : i32
        %dma_wait3A_42 = tpu.memref_slice %arg13[%add3A_35, %dma_wait3A_41] : memref<10240x64xf32, #tpu.memory_space<vmem_shared>> -> memref<64x64xf32, #tpu.memory_space<vmem_shared>>
        tpu.wait_dma2 semaphore(%run_scoped3A : memref<!tpu.dma_semaphore, #tpu.memory_space<semaphore_mem>>) src(%arg12 : memref<64x64xf32, #tpu.memory_space<vmem>>) dst(%dma_wait3A_42 : memref<64x64xf32, #tpu.memory_space<vmem_shared>>)
        tpu.yield
      }) : () -> ()
    }
    %scan3A_9 = arith.constant 10 : i32
    %barrier3A = arith.constant 0 : index
    tpu.barrier barrier_id(%barrier3A)
    %mul3A_10 = arith.constant 10496 : i32
    %mul3A_11 = arith.muli %add3A, %mul3A_10 : i32
    %add3A_12 = arith.constant 0 : i32
    %add3A_13 = arith.addi %mul3A_11, %add3A_12 : i32
    "tpu.region"() ({
      %run_scoped3A = tpu.sem_alloc : memref<!tpu.dma_semaphore, #tpu.memory_space<semaphore_mem>>
      %dma_start3A_28 = tpu.memref_slice %arg3[%add3A_13] : memref<335872xi32, #tpu.memory_space<hbm>> -> memref<128xi32, #tpu.memory_space<hbm>>
      %dma_start3A_29 = tpu.memref_slice %arg3[%add3A_13] : memref<335872xi32, #tpu.memory_space<hbm>> -> memref<128xi32, #tpu.memory_space<hbm>>
      tpu.enqueue_dma source(%dma_start3A_29 : memref<128xi32, #tpu.memory_space<hbm>>) target(%arg6 : memref<128xi32, #tpu.memory_space<vmem>>) target_semaphore(%run_scoped3A : memref<!tpu.dma_semaphore, #tpu.memory_space<semaphore_mem>>)
      %dma_wait3A = tpu.memref_slice %arg3[%add3A_13] : memref<335872xi32, #tpu.memory_space<hbm>> -> memref<128xi32, #tpu.memory_space<hbm>>
      %dma_wait3A_30 = tpu.memref_slice %arg3[%add3A_13] : memref<335872xi32, #tpu.memory_space<hbm>> -> memref<128xi32, #tpu.memory_space<hbm>>
      tpu.wait_dma2 semaphore(%run_scoped3A : memref<!tpu.dma_semaphore, #tpu.memory_space<semaphore_mem>>) src(%dma_wait3A_30 : memref<128xi32, #tpu.memory_space<hbm>>) dst(%arg6 : memref<128xi32, #tpu.memory_space<vmem>>)
      tpu.yield
    }) : () -> ()
    %add3A_14 = arith.constant 0 : i32
    %add3A_15 = arith.addi %mul3A_11, %add3A_14 : i32
    "tpu.region"() ({
      %run_scoped3A = tpu.sem_alloc : memref<!tpu.dma_semaphore, #tpu.memory_space<semaphore_mem>>
      %dma_start3A_28 = tpu.memref_slice %arg4[%add3A_15] : memref<335872xi32, #tpu.memory_space<hbm>> -> memref<128xi32, #tpu.memory_space<hbm>>
      %dma_start3A_29 = tpu.memref_slice %arg4[%add3A_15] : memref<335872xi32, #tpu.memory_space<hbm>> -> memref<128xi32, #tpu.memory_space<hbm>>
      tpu.enqueue_dma source(%dma_start3A_29 : memref<128xi32, #tpu.memory_space<hbm>>) target(%arg8 : memref<128xi32, #tpu.memory_space<vmem>>) target_semaphore(%run_scoped3A : memref<!tpu.dma_semaphore, #tpu.memory_space<semaphore_mem>>)
      %dma_wait3A = tpu.memref_slice %arg4[%add3A_15] : memref<335872xi32, #tpu.memory_space<hbm>> -> memref<128xi32, #tpu.memory_space<hbm>>
      %dma_wait3A_30 = tpu.memref_slice %arg4[%add3A_15] : memref<335872xi32, #tpu.memory_space<hbm>> -> memref<128xi32, #tpu.memory_space<hbm>>
      tpu.wait_dma2 semaphore(%run_scoped3A : memref<!tpu.dma_semaphore, #tpu.memory_space<semaphore_mem>>) src(%dma_wait3A_30 : memref<128xi32, #tpu.memory_space<hbm>>) dst(%arg8 : memref<128xi32, #tpu.memory_space<vmem>>)
      tpu.yield
    }) : () -> ()
    %dma_start3A = arith.constant 0 : i32
    %dma_start3A_16 = arith.constant 0 : i32
    %dma_start3A_17 = tpu.memref_slice %arg2[%dma_start3A, %dma_start3A_16] : memref<10240x64xf32, #tpu.memory_space<hbm>> -> memref<10240x64xf32, #tpu.memory_space<hbm>>
    tpu.enqueue_indirect_dma source(%dma_start3A_17 : memref<10240x64xf32, #tpu.memory_space<hbm>>) target(%arg10 : memref<128x64xf32, #tpu.memory_space<vmem>>) offsets(%arg6 : memref<128xi32, #tpu.memory_space<vmem>>) semaphore(%arg14 : memref<!tpu.dma_semaphore, #tpu.memory_space<semaphore_mem>>)
    %scan3A_18 = arith.constant 0 : i32
    %scan3A_19 = arith.constant 41 : i32
    %scan3A_20 = arith.addi %scan3A_18, %scan3A_19 : i32
    %scan3A_21 = arith.constant 1 : i32
    scf.for %scan3A_28 = %scan3A_18 to %scan3A_20 step %scan3A_21  : i32 {
      %mul3A_29 = arith.constant 256 : i32
      %mul3A_30 = arith.muli %scan3A_28, %mul3A_29 : i32
      %add3A_31 = arith.constant 0 : i32
      %add3A_32 = arith.addi %add3A_31, %mul3A_30 : i32
      %add3A_33 = arith.constant 0 : i32
      %add3A_34 = arith.addi %add3A_32, %add3A_33 : i32
      %add3A_35 = arith.constant 128 : i32
      %add3A_36 = arith.addi %add3A_34, %add3A_35 : i32
      %lt3A = arith.constant 10496 : i32
      %lt3A_37 = arith.cmpi slt, %add3A_36, %lt3A : i32
      %convert_element_type3A = arith.extui %lt3A_37 : i1 to i32
      %cond3A = arith.constant 0 : i32
      %cond3A_38 = arith.cmpi ne, %convert_element_type3A, %cond3A : i32
      scf.if %cond3A_38 {
        %add3A_53 = arith.addi %mul3A_11, %add3A_36 : i32
        "tpu.region"() ({
          %run_scoped3A = tpu.sem_alloc : memref<!tpu.dma_semaphore, #tpu.memory_space<semaphore_mem>>
          %dma_start3A_58 = tpu.memref_slice %arg3[%add3A_53] : memref<335872xi32, #tpu.memory_space<hbm>> -> memref<128xi32, #tpu.memory_space<hbm>>
          %dma_start3A_59 = tpu.memref_slice %arg3[%add3A_53] : memref<335872xi32, #tpu.memory_space<hbm>> -> memref<128xi32, #tpu.memory_space<hbm>>
          tpu.enqueue_dma source(%dma_start3A_59 : memref<128xi32, #tpu.memory_space<hbm>>) target(%arg7 : memref<128xi32, #tpu.memory_space<vmem>>) target_semaphore(%run_scoped3A : memref<!tpu.dma_semaphore, #tpu.memory_space<semaphore_mem>>)
          %dma_wait3A_60 = tpu.memref_slice %arg3[%add3A_53] : memref<335872xi32, #tpu.memory_space<hbm>> -> memref<128xi32, #tpu.memory_space<hbm>>
          %dma_wait3A_61 = tpu.memref_slice %arg3[%add3A_53] : memref<335872xi32, #tpu.memory_space<hbm>> -> memref<128xi32, #tpu.memory_space<hbm>>
          tpu.wait_dma2 semaphore(%run_scoped3A : memref<!tpu.dma_semaphore, #tpu.memory_space<semaphore_mem>>) src(%dma_wait3A_61 : memref<128xi32, #tpu.memory_space<hbm>>) dst(%arg7 : memref<128xi32, #tpu.memory_space<vmem>>)
          tpu.yield
        }) : () -> ()
        %add3A_54 = arith.addi %mul3A_11, %add3A_36 : i32
        "tpu.region"() ({
          %run_scoped3A = tpu.sem_alloc : memref<!tpu.dma_semaphore, #tpu.memory_space<semaphore_mem>>
          %dma_start3A_58 = tpu.memref_slice %arg4[%add3A_54] : memref<335872xi32, #tpu.memory_space<hbm>> -> memref<128xi32, #tpu.memory_space<hbm>>
          %dma_start3A_59 = tpu.memref_slice %arg4[%add3A_54] : memref<335872xi32, #tpu.memory_space<hbm>> -> memref<128xi32, #tpu.memory_space<hbm>>
          tpu.enqueue_dma source(%dma_start3A_59 : memref<128xi32, #tpu.memory_space<hbm>>) target(%arg9 : memref<128xi32, #tpu.memory_space<vmem>>) target_semaphore(%run_scoped3A : memref<!tpu.dma_semaphore, #tpu.memory_space<semaphore_mem>>)
          %dma_wait3A_60 = tpu.memref_slice %arg4[%add3A_54] : memref<335872xi32, #tpu.memory_space<hbm>> -> memref<128xi32, #tpu.memory_space<hbm>>
          %dma_wait3A_61 = tpu.memref_slice %arg4[%add3A_54] : memref<335872xi32, #tpu.memory_space<hbm>> -> memref<128xi32, #tpu.memory_space<hbm>>
          tpu.wait_dma2 semaphore(%run_scoped3A : memref<!tpu.dma_semaphore, #tpu.memory_space<semaphore_mem>>) src(%dma_wait3A_61 : memref<128xi32, #tpu.memory_space<hbm>>) dst(%arg9 : memref<128xi32, #tpu.memory_space<vmem>>)
          tpu.yield
        }) : () -> ()
        %dma_start3A_55 = arith.constant 0 : i32
        %dma_start3A_56 = arith.constant 0 : i32
        %dma_start3A_57 = tpu.memref_slice %arg2[%dma_start3A_55, %dma_start3A_56] : memref<10240x64xf32, #tpu.memory_space<hbm>> -> memref<10240x64xf32, #tpu.memory_space<hbm>>
        tpu.enqueue_indirect_dma source(%dma_start3A_57 : memref<10240x64xf32, #tpu.memory_space<hbm>>) target(%arg11 : memref<128x64xf32, #tpu.memory_space<vmem>>) offsets(%arg7 : memref<128xi32, #tpu.memory_space<vmem>>) semaphore(%arg15 : memref<!tpu.dma_semaphore, #tpu.memory_space<semaphore_mem>>)
      } else {
      }
      %dma_wait3A = arith.constant 0 : i32
      %dma_wait3A_39 = arith.constant 0 : i32
      %dma_wait3A_40 = tpu.memref_slice %arg2[%dma_wait3A, %dma_wait3A_39] : memref<10240x64xf32, #tpu.memory_space<hbm>> -> memref<10240x64xf32, #tpu.memory_space<hbm>>
      tpu.wait_indirect_dma semaphore(%arg14 : memref<!tpu.dma_semaphore, #tpu.memory_space<semaphore_mem>>) src(%dma_wait3A_40 : memref<10240x64xf32, #tpu.memory_space<hbm>>) dst(%arg10 : memref<128x64xf32, #tpu.memory_space<vmem>>)
      "tpu.region"() ({
        %run_scoped3A = tpu.sem_alloc : memref<!tpu.dma_semaphore, #tpu.memory_space<semaphore_mem>>
        %dma_start3A_53 = arith.constant 0 : i32
        %dma_start3A_54 = arith.constant 0 : i32
        %dma_start3A_55 = tpu.memref_slice %arg13[%dma_start3A_53, %dma_start3A_54] : memref<10240x64xf32, #tpu.memory_space<vmem_shared>> -> memref<10240x64xf32, #tpu.memory_space<vmem_shared>>
        tpu.enqueue_indirect_dma source(%arg10 : memref<128x64xf32, #tpu.memory_space<vmem>>) target(%dma_start3A_55 : memref<10240x64xf32, #tpu.memory_space<vmem_shared>>) offsets(%arg8 : memref<128xi32, #tpu.memory_space<vmem>>) semaphore(%run_scoped3A : memref<!tpu.dma_semaphore, #tpu.memory_space<semaphore_mem>>) {add = true}
        %dma_wait3A_56 = arith.constant 0 : i32
        %dma_wait3A_57 = arith.constant 0 : i32
        %dma_wait3A_58 = tpu.memref_slice %arg13[%dma_wait3A_56, %dma_wait3A_57] : memref<10240x64xf32, #tpu.memory_space<vmem_shared>> -> memref<10240x64xf32, #tpu.memory_space<vmem_shared>>
        tpu.wait_indirect_dma semaphore(%run_scoped3A : memref<!tpu.dma_semaphore, #tpu.memory_space<semaphore_mem>>) src(%arg10 : memref<128x64xf32, #tpu.memory_space<vmem>>) dst(%dma_wait3A_58 : memref<10240x64xf32, #tpu.memory_space<vmem_shared>>)
        tpu.yield
      }) : () -> ()
      %add3A_41 = arith.constant 128 : i32
      %add3A_42 = arith.addi %add3A_32, %add3A_41 : i32
      %add3A_43 = arith.constant 128 : i32
      %add3A_44 = arith.addi %add3A_42, %add3A_43 : i32
      %lt3A_45 = arith.constant 10496 : i32
      %lt3A_46 = arith.cmpi slt, %add3A_44, %lt3A_45 : i32
      %convert_element_type3A_47 = arith.extui %lt3A_46 : i1 to i32
      %cond3A_48 = arith.constant 0 : i32
      %cond3A_49 = arith.cmpi ne, %convert_element_type3A_47, %cond3A_48 : i32
      scf.if %cond3A_49 {
        %add3A_53 = arith.addi %mul3A_11, %add3A_44 : i32
        "tpu.region"() ({
          %run_scoped3A = tpu.sem_alloc : memref<!tpu.dma_semaphore, #tpu.memory_space<semaphore_mem>>
          %dma_start3A_58 = tpu.memref_slice %arg3[%add3A_53] : memref<335872xi32, #tpu.memory_space<hbm>> -> memref<128xi32, #tpu.memory_space<hbm>>
          %dma_start3A_59 = tpu.memref_slice %arg3[%add3A_53] : memref<335872xi32, #tpu.memory_space<hbm>> -> memref<128xi32, #tpu.memory_space<hbm>>
          tpu.enqueue_dma source(%dma_start3A_59 : memref<128xi32, #tpu.memory_space<hbm>>) target(%arg6 : memref<128xi32, #tpu.memory_space<vmem>>) target_semaphore(%run_scoped3A : memref<!tpu.dma_semaphore, #tpu.memory_space<semaphore_mem>>)
          %dma_wait3A_60 = tpu.memref_slice %arg3[%add3A_53] : memref<335872xi32, #tpu.memory_space<hbm>> -> memref<128xi32, #tpu.memory_space<hbm>>
          %dma_wait3A_61 = tpu.memref_slice %arg3[%add3A_53] : memref<335872xi32, #tpu.memory_space<hbm>> -> memref<128xi32, #tpu.memory_space<hbm>>
          tpu.wait_dma2 semaphore(%run_scoped3A : memref<!tpu.dma_semaphore, #tpu.memory_space<semaphore_mem>>) src(%dma_wait3A_61 : memref<128xi32, #tpu.memory_space<hbm>>) dst(%arg6 : memref<128xi32, #tpu.memory_space<vmem>>)
          tpu.yield
        }) : () -> ()
        %add3A_54 = arith.addi %mul3A_11, %add3A_44 : i32
        "tpu.region"() ({
          %run_scoped3A = tpu.sem_alloc : memref<!tpu.dma_semaphore, #tpu.memory_space<semaphore_mem>>
          %dma_start3A_58 = tpu.memref_slice %arg4[%add3A_54] : memref<335872xi32, #tpu.memory_space<hbm>> -> memref<128xi32, #tpu.memory_space<hbm>>
          %dma_start3A_59 = tpu.memref_slice %arg4[%add3A_54] : memref<335872xi32, #tpu.memory_space<hbm>> -> memref<128xi32, #tpu.memory_space<hbm>>
          tpu.enqueue_dma source(%dma_start3A_59 : memref<128xi32, #tpu.memory_space<hbm>>) target(%arg8 : memref<128xi32, #tpu.memory_space<vmem>>) target_semaphore(%run_scoped3A : memref<!tpu.dma_semaphore, #tpu.memory_space<semaphore_mem>>)
          %dma_wait3A_60 = tpu.memref_slice %arg4[%add3A_54] : memref<335872xi32, #tpu.memory_space<hbm>> -> memref<128xi32, #tpu.memory_space<hbm>>
          %dma_wait3A_61 = tpu.memref_slice %arg4[%add3A_54] : memref<335872xi32, #tpu.memory_space<hbm>> -> memref<128xi32, #tpu.memory_space<hbm>>
          tpu.wait_dma2 semaphore(%run_scoped3A : memref<!tpu.dma_semaphore, #tpu.memory_space<semaphore_mem>>) src(%dma_wait3A_61 : memref<128xi32, #tpu.memory_space<hbm>>) dst(%arg8 : memref<128xi32, #tpu.memory_space<vmem>>)
          tpu.yield
        }) : () -> ()
        %dma_start3A_55 = arith.constant 0 : i32
        %dma_start3A_56 = arith.constant 0 : i32
        %dma_start3A_57 = tpu.memref_slice %arg2[%dma_start3A_55, %dma_start3A_56] : memref<10240x64xf32, #tpu.memory_space<hbm>> -> memref<10240x64xf32, #tpu.memory_space<hbm>>
        tpu.enqueue_indirect_dma source(%dma_start3A_57 : memref<10240x64xf32, #tpu.memory_space<hbm>>) target(%arg10 : memref<128x64xf32, #tpu.memory_space<vmem>>) offsets(%arg6 : memref<128xi32, #tpu.memory_space<vmem>>) semaphore(%arg14 : memref<!tpu.dma_semaphore, #tpu.memory_space<semaphore_mem>>)
      } else {
      }
      %dma_wait3A_50 = arith.constant 0 : i32
      %dma_wait3A_51 = arith.constant 0 : i32
      %dma_wait3A_52 = tpu.memref_slice %arg2[%dma_wait3A_50, %dma_wait3A_51] : memref<10240x64xf32, #tpu.memory_space<hbm>> -> memref<10240x64xf32, #tpu.memory_space<hbm>>
      tpu.wait_indirect_dma semaphore(%arg15 : memref<!tpu.dma_semaphore, #tpu.memory_space<semaphore_mem>>) src(%dma_wait3A_52 : memref<10240x64xf32, #tpu.memory_space<hbm>>) dst(%arg11 : memref<128x64xf32, #tpu.memory_space<vmem>>)
      "tpu.region"() ({
        %run_scoped3A = tpu.sem_alloc : memref<!tpu.dma_semaphore, #tpu.memory_space<semaphore_mem>>
        %dma_start3A_53 = arith.constant 0 : i32
        %dma_start3A_54 = arith.constant 0 : i32
        %dma_start3A_55 = tpu.memref_slice %arg13[%dma_start3A_53, %dma_start3A_54] : memref<10240x64xf32, #tpu.memory_space<vmem_shared>> -> memref<10240x64xf32, #tpu.memory_space<vmem_shared>>
        tpu.enqueue_indirect_dma source(%arg11 : memref<128x64xf32, #tpu.memory_space<vmem>>) target(%dma_start3A_55 : memref<10240x64xf32, #tpu.memory_space<vmem_shared>>) offsets(%arg9 : memref<128xi32, #tpu.memory_space<vmem>>) semaphore(%run_scoped3A : memref<!tpu.dma_semaphore, #tpu.memory_space<semaphore_mem>>) {add = true}
        %dma_wait3A_56 = arith.constant 0 : i32
        %dma_wait3A_57 = arith.constant 0 : i32
        %dma_wait3A_58 = tpu.memref_slice %arg13[%dma_wait3A_56, %dma_wait3A_57] : memref<10240x64xf32, #tpu.memory_space<vmem_shared>> -> memref<10240x64xf32, #tpu.memory_space<vmem_shared>>
        tpu.wait_indirect_dma semaphore(%run_scoped3A : memref<!tpu.dma_semaphore, #tpu.memory_space<semaphore_mem>>) src(%arg11 : memref<128x64xf32, #tpu.memory_space<vmem>>) dst(%dma_wait3A_58 : memref<10240x64xf32, #tpu.memory_space<vmem_shared>>)
        tpu.yield
      }) : () -> ()
    }
    %scan3A_22 = arith.constant 41 : i32
    %barrier3A_23 = arith.constant 0 : index
    tpu.barrier barrier_id(%barrier3A_23)
    %mul3A_24 = arith.constant 640 : i32
    %mul3A_25 = arith.muli %arg1, %mul3A_24 : i32
    %mul3A_26 = arith.constant 640 : i32
    %mul3A_27 = arith.muli %arg1, %mul3A_26 : i32
    "tpu.region"() ({
      %run_scoped3A = tpu.sem_alloc : memref<!tpu.dma_semaphore, #tpu.memory_space<semaphore_mem>>
      %dma_start3A_28 = arith.constant 0 : i32
      %dma_start3A_29 = arith.constant 0 : i32
      %dma_start3A_30 = tpu.memref_slice %arg5[%arg0, %dma_start3A_28, %dma_start3A_29] : memref<2x10240x64xf32, #tpu.memory_space<hbm>> -> memref<1x10240x64xf32, #tpu.memory_space<hbm>>
      %dma_start3A_31 = tpu.memref_squeeze %dma_start3A_30 : memref<1x10240x64xf32, #tpu.memory_space<hbm>> -> memref<10240x64xf32, #tpu.memory_space<hbm>>
      %dma_start3A_32 = arith.constant 0 : i32
      %dma_start3A_33 = tpu.memref_slice %dma_start3A_31[%mul3A_27, %dma_start3A_32] : memref<10240x64xf32, #tpu.memory_space<hbm>> -> memref<640x64xf32, #tpu.memory_space<hbm>>
      %dma_start3A_34 = arith.constant 0 : i32
      %dma_start3A_35 = tpu.memref_slice %arg13[%mul3A_25, %dma_start3A_34] : memref<10240x64xf32, #tpu.memory_space<vmem_shared>> -> memref<640x64xf32, #tpu.memory_space<vmem_shared>>
      tpu.enqueue_dma source(%dma_start3A_35 : memref<640x64xf32, #tpu.memory_space<vmem_shared>>) target(%dma_start3A_33 : memref<640x64xf32, #tpu.memory_space<hbm>>) target_semaphore(%run_scoped3A : memref<!tpu.dma_semaphore, #tpu.memory_space<semaphore_mem>>)
      %dma_wait3A = arith.constant 0 : i32
      %dma_wait3A_36 = arith.constant 0 : i32
      %dma_wait3A_37 = tpu.memref_slice %arg5[%arg0, %dma_wait3A, %dma_wait3A_36] : memref<2x10240x64xf32, #tpu.memory_space<hbm>> -> memref<1x10240x64xf32, #tpu.memory_space<hbm>>
      %dma_wait3A_38 = tpu.memref_squeeze %dma_wait3A_37 : memref<1x10240x64xf32, #tpu.memory_space<hbm>> -> memref<10240x64xf32, #tpu.memory_space<hbm>>
      %dma_wait3A_39 = arith.constant 0 : i32
      %dma_wait3A_40 = tpu.memref_slice %dma_wait3A_38[%mul3A_27, %dma_wait3A_39] : memref<10240x64xf32, #tpu.memory_space<hbm>> -> memref<640x64xf32, #tpu.memory_space<hbm>>
      %dma_wait3A_41 = arith.constant 0 : i32
      %dma_wait3A_42 = tpu.memref_slice %arg13[%mul3A_25, %dma_wait3A_41] : memref<10240x64xf32, #tpu.memory_space<vmem_shared>> -> memref<640x64xf32, #tpu.memory_space<vmem_shared>>
      tpu.wait_dma2 semaphore(%run_scoped3A : memref<!tpu.dma_semaphore, #tpu.memory_space<semaphore_mem>>) src(%dma_wait3A_42 : memref<640x64xf32, #tpu.memory_space<vmem_shared>>) dst(%dma_wait3A_40 : memref<640x64xf32, #tpu.memory_space<hbm>>)
      tpu.yield
    }) : () -> ()
    return
  }
}

module attributes {stable_mosaic.version = 14 : i64} {
  func.func @body(%arg0: i32, %arg1: memref<2048x128xf32, #tpu.memory_space<vmem>>, %arg2: memref<128x128xf32, #tpu.memory_space<vmem>>, %arg3: memref<2048x128xf32, #tpu.memory_space<vmem>>) attributes {dimension_semantics = [#tpu.dimension_semantics<arbitrary>], iteration_bounds = array<i64: 5>, scalar_prefetch = 0 : i64, scratch_operands = 0 : i64, tpu.core_type = #tpu.core_type<tc>, window_params = [{transform_indices = @transform_0, window_bounds = array<i64: 2048, 128>}, {pipeline_mode = #tpu.pipeline_mode<synchronous>, transform_indices = @transform_1, window_bounds = array<i64: 128, 128>}, {transform_indices = @transform_2, window_bounds = array<i64: 2048, 128>}]} {
    %get3A = arith.constant 0 : index
    %get3A_0 = arith.constant 0 : index
    %get3A_1 = vector.load %arg1[%get3A, %get3A_0] : memref<2048x128xf32, #tpu.memory_space<vmem>>, vector<2048x128xf32>
    %get3A_2 = arith.constant 0 : index
    %get3A_3 = arith.constant 0 : index
    %get3A_4 = vector.load %arg2[%get3A_2, %get3A_3] : memref<128x128xf32, #tpu.memory_space<vmem>>, vector<128x128xf32>
    %dot_general3A = arith.constant dense<0.000000e+00> : vector<2048x128xf32>
    %dot_general3A_5 = tpu.matmul %get3A_1, %get3A_4, %dot_general3A {dimension_numbers = #tpu.dot_dimension_numbers<[1], [0], [0], [1], [0, 0, 1, 1], [], []>, transpose_lhs_hint = false} : vector<2048x128xf32>, vector<128x128xf32>, vector<2048x128xf32> -> vector<2048x128xf32>
    %swap3A = arith.constant 0 : index
    %swap3A_6 = arith.constant 0 : index
    %swap3A_7 = vector.load %arg3[%swap3A, %swap3A_6] : memref<2048x128xf32, #tpu.memory_space<vmem>>, vector<2048x128xf32>
    tpu.vector_store %arg3[%swap3A, %swap3A_6], %dot_general3A_5 {strides = array<i32>} : memref<2048x128xf32, #tpu.memory_space<vmem>>, vector<2048x128xf32>,
    return
  }
  func.func @transform_0(%arg0: i32) -> (i32, i32) {
    %c0_i32 = arith.constant 0 : i32
    %c0_i32_0 = arith.constant 0 : i32
    return %arg0, %c0_i32 : i32, i32
  }
  func.func @transform_1(%arg0: i32) -> (i32, i32) {
    %c0_i32 = arith.constant 0 : i32
    %c0_i32_0 = arith.constant 0 : i32
    %c0_i32_1 = arith.constant 0 : i32
    return %c0_i32, %c0_i32_0 : i32, i32
  }
  func.func @transform_2(%arg0: i32) -> (i32, i32) {
    %c0_i32 = arith.constant 0 : i32
    %c0_i32_0 = arith.constant 0 : i32
    return %arg0, %c0_i32 : i32, i32
  }
}

module attributes {stable_mosaic.version = 14 : i64} {
  func.func @body(%arg0: i32, %arg1: memref<2048x128xf32, #tpu.memory_space<vmem>>, %arg2: memref<2x2048x16xf32, #tpu.memory_space<vmem>>, %arg3: memref<2048x128xf32, #tpu.memory_space<vmem>>) attributes {dimension_semantics = [#tpu.dimension_semantics<arbitrary>], iteration_bounds = array<i64: 5>, scalar_prefetch = 0 : i64, scratch_operands = 0 : i64, tpu.core_type = #tpu.core_type<tc>, window_params = [{transform_indices = @transform_0, window_bounds = array<i64: 2048, 128>}, {transform_indices = @transform_1, window_bounds = array<i64: 2, 2048, 16>}, {transform_indices = @transform_2, window_bounds = array<i64: 2048, 128>}]} {
    %get3A = arith.constant 0 : index
    %get3A_0 = arith.constant 0 : index
    %get3A_1 = vector.load %arg1[%get3A, %get3A_0] : memref<2048x128xf32, #tpu.memory_space<vmem>>, vector<2048x128xf32>
    %get3A_2 = arith.constant 0 : index
    %get3A_3 = arith.constant 0 : index
    %get3A_4 = arith.constant 0 : index
    %get3A_5 = vector.load %arg2[%get3A_2, %get3A_3, %get3A_4] : memref<2x2048x16xf32, #tpu.memory_space<vmem>>, vector<1x2048x1xf32>
    %get3A_6 = vector.shape_cast %get3A_5 : vector<1x2048x1xf32> to vector<2048x1xf32>
    %get3A_7 = arith.constant 1 : index
    %get3A_8 = arith.constant 0 : index
    %get3A_9 = arith.constant 0 : index
    %get3A_10 = vector.load %arg2[%get3A_7, %get3A_8, %get3A_9] : memref<2x2048x16xf32, #tpu.memory_space<vmem>>, vector<1x2048x1xf32>
    %get3A_11 = vector.shape_cast %get3A_10 : vector<1x2048x1xf32> to vector<2048x1xf32>
    %add3A = arith.addf %get3A_6, %get3A_11 : vector<2048x1xf32>
    %gt3A = arith.constant 0.000000e+00 : f32
    %gt3A_12 = vector.broadcast %gt3A : f32 to vector<2048x1xf32>
    %gt3A_13 = arith.cmpf ogt, %add3A, %gt3A_12 : vector<2048x1xf32>
    %rsqrt3A = math.rsqrt %add3A : vector<2048x1xf32>
    %jit3A = arith.constant 0.000000e+00 : f32
    %broadcast_in_dim3A = vector.broadcast %jit3A : f32 to vector<2048x1xf32>
    %select_n3A = arith.select %gt3A_13, %rsqrt3A, %broadcast_in_dim3A : vector<2048x1xi1>, vector<2048x1xf32>
    %mul3A = vector.broadcast %select_n3A : vector<2048x1xf32> to vector<2048x128xf32>
    %mul3A_14 = arith.mulf %get3A_1, %mul3A : vector<2048x128xf32>
    %swap3A = arith.constant 0 : index
    %swap3A_15 = arith.constant 0 : index
    %swap3A_16 = vector.load %arg3[%swap3A, %swap3A_15] : memref<2048x128xf32, #tpu.memory_space<vmem>>, vector<2048x128xf32>
    tpu.vector_store %arg3[%swap3A, %swap3A_15], %mul3A_14 {strides = array<i32>} : memref<2048x128xf32, #tpu.memory_space<vmem>>, vector<2048x128xf32>,
    return
  }
  func.func @transform_0(%arg0: i32) -> (i32, i32) {
    %c0_i32 = arith.constant 0 : i32
    %c0_i32_0 = arith.constant 0 : i32
    return %arg0, %c0_i32 : i32, i32
  }
  func.func @transform_1(%arg0: i32) -> (i32, i32, i32) {
    %c0_i32 = arith.constant 0 : i32
    %c0_i32_0 = arith.constant 0 : i32
    %c0_i32_1 = arith.constant 0 : i32
    return %c0_i32, %arg0, %c0_i32_0 : i32, i32, i32
  }
  func.func @transform_2(%arg0: i32) -> (i32, i32) {
    %c0_i32 = arith.constant 0 : i32
    %c0_i32_0 = arith.constant 0 : i32
    return %arg0, %c0_i32 : i32, i32
  }
}

module attributes {stable_mosaic.version = 14 : i64} {
  func.func @body(%arg0: i32, %arg1: memref<2x2048x128xf32, #tpu.memory_space<vmem>>, %arg2: memref<2x2048x16xf32, #tpu.memory_space<vmem>>, %arg3: memref<1x128xf32, #tpu.memory_space<vmem>>, %arg4: memref<128x64xf32, #tpu.memory_space<vmem>>, %arg5: memref<2048x64xf32, #tpu.memory_space<vmem>>) attributes {dimension_semantics = [#tpu.dimension_semantics<arbitrary>], iteration_bounds = array<i64: 5>, scalar_prefetch = 0 : i64, scratch_operands = 0 : i64, tpu.core_type = #tpu.core_type<tc>, window_params = [{transform_indices = @transform_0, window_bounds = array<i64: 2, 2048, 128>}, {transform_indices = @transform_1, window_bounds = array<i64: 2, 2048, 16>}, {pipeline_mode = #tpu.pipeline_mode<synchronous>, transform_indices = @transform_2, window_bounds = array<i64: 1, 128>}, {pipeline_mode = #tpu.pipeline_mode<synchronous>, transform_indices = @transform_3, window_bounds = array<i64: 128, 64>}, {transform_indices = @transform_4, window_bounds = array<i64: 2048, 64>}]} {
    %get3A = arith.constant 0 : index
    %get3A_0 = arith.constant 0 : index
    %get3A_1 = arith.constant 0 : index
    %get3A_2 = vector.load %arg2[%get3A, %get3A_0, %get3A_1] : memref<2x2048x16xf32, #tpu.memory_space<vmem>>, vector<1x2048x1xf32>
    %get3A_3 = vector.shape_cast %get3A_2 : vector<1x2048x1xf32> to vector<2048x1xf32>
    %get3A_4 = arith.constant 1 : index
    %get3A_5 = arith.constant 0 : index
    %get3A_6 = arith.constant 0 : index
    %get3A_7 = vector.load %arg2[%get3A_4, %get3A_5, %get3A_6] : memref<2x2048x16xf32, #tpu.memory_space<vmem>>, vector<1x2048x1xf32>
    %get3A_8 = vector.shape_cast %get3A_7 : vector<1x2048x1xf32> to vector<2048x1xf32>
    %add3A = arith.addf %get3A_3, %get3A_8 : vector<2048x1xf32>
    %gt3A = arith.constant 0.000000e+00 : f32
    %gt3A_9 = vector.broadcast %gt3A : f32 to vector<2048x1xf32>
    %gt3A_10 = arith.cmpf ogt, %add3A, %gt3A_9 : vector<2048x1xf32>
    %rsqrt3A = math.rsqrt %add3A : vector<2048x1xf32>
    %jit3A = arith.constant 0.000000e+00 : f32
    %broadcast_in_dim3A = vector.broadcast %jit3A : f32 to vector<2048x1xf32>
    %select_n3A = arith.select %gt3A_10, %rsqrt3A, %broadcast_in_dim3A : vector<2048x1xi1>, vector<2048x1xf32>
    %get3A_11 = arith.constant 0 : index
    %get3A_12 = arith.constant 0 : index
    %get3A_13 = arith.constant 0 : index
    %get3A_14 = vector.load %arg1[%get3A_11, %get3A_12, %get3A_13] : memref<2x2048x128xf32, #tpu.memory_space<vmem>>, vector<1x2048x128xf32>
    %get3A_15 = vector.shape_cast %get3A_14 : vector<1x2048x128xf32> to vector<2048x128xf32>
    %get3A_16 = arith.constant 1 : index
    %get3A_17 = arith.constant 0 : index
    %get3A_18 = arith.constant 0 : index
    %get3A_19 = vector.load %arg1[%get3A_16, %get3A_17, %get3A_18] : memref<2x2048x128xf32, #tpu.memory_space<vmem>>, vector<1x2048x128xf32>
    %get3A_20 = vector.shape_cast %get3A_19 : vector<1x2048x128xf32> to vector<2048x128xf32>
    %add3A_21 = arith.addf %get3A_15, %get3A_20 : vector<2048x128xf32>
    %mul3A = vector.broadcast %select_n3A : vector<2048x1xf32> to vector<2048x128xf32>
    %mul3A_22 = arith.mulf %add3A_21, %mul3A : vector<2048x128xf32>
    %get3A_23 = arith.constant 0 : index
    %get3A_24 = arith.constant 0 : index
    %get3A_25 = vector.load %arg3[%get3A_23, %get3A_24] : memref<1x128xf32, #tpu.memory_space<vmem>>, vector<1x128xf32>
    %add3A_26 = vector.broadcast %get3A_25 : vector<1x128xf32> to vector<2048x128xf32>
    %add3A_27 = arith.addf %mul3A_22, %add3A_26 : vector<2048x128xf32>
    %max3A = arith.constant 0.000000e+00 : f32
    %max3A_28 = vector.broadcast %max3A : f32 to vector<2048x128xf32>
    %max3A_29 = arith.maximumf %add3A_27, %max3A_28 : vector<2048x128xf32>
    %get3A_30 = arith.constant 0 : index
    %get3A_31 = arith.constant 0 : index
    %get3A_32 = vector.load %arg4[%get3A_30, %get3A_31] : memref<128x64xf32, #tpu.memory_space<vmem>>, vector<128x64xf32>
    %dot_general3A = arith.constant dense<0.000000e+00> : vector<2048x64xf32>
    %dot_general3A_33 = tpu.matmul %max3A_29, %get3A_32, %dot_general3A {dimension_numbers = #tpu.dot_dimension_numbers<[1], [0], [0], [1], [0, 0, 1, 1], [], []>, transpose_lhs_hint = false} : vector<2048x128xf32>, vector<128x64xf32>, vector<2048x64xf32> -> vector<2048x64xf32>
    %mul3A_34 = vector.broadcast %select_n3A : vector<2048x1xf32> to vector<2048x64xf32>
    %mul3A_35 = arith.mulf %dot_general3A_33, %mul3A_34 : vector<2048x64xf32>
    %swap3A = arith.constant 0 : index
    %swap3A_36 = arith.constant 0 : index
    %swap3A_37 = vector.load %arg5[%swap3A, %swap3A_36] : memref<2048x64xf32, #tpu.memory_space<vmem>>, vector<2048x64xf32>
    tpu.vector_store %arg5[%swap3A, %swap3A_36], %mul3A_35 {strides = array<i32>} : memref<2048x64xf32, #tpu.memory_space<vmem>>, vector<2048x64xf32>,
    return
  }
  func.func @transform_0(%arg0: i32) -> (i32, i32, i32) {
    %c0_i32 = arith.constant 0 : i32
    %c0_i32_0 = arith.constant 0 : i32
    %c0_i32_1 = arith.constant 0 : i32
    return %c0_i32, %arg0, %c0_i32_0 : i32, i32, i32
  }
  func.func @transform_1(%arg0: i32) -> (i32, i32, i32) {
    %c0_i32 = arith.constant 0 : i32
    %c0_i32_0 = arith.constant 0 : i32
    %c0_i32_1 = arith.constant 0 : i32
    return %c0_i32, %arg0, %c0_i32_0 : i32, i32, i32
  }
  func.func @transform_2(%arg0: i32) -> (i32, i32) {
    %c0_i32 = arith.constant 0 : i32
    %c0_i32_0 = arith.constant 0 : i32
    %c0_i32_1 = arith.constant 0 : i32
    return %c0_i32, %c0_i32_0 : i32, i32
  }
  func.func @transform_3(%arg0: i32) -> (i32, i32) {
    %c0_i32 = arith.constant 0 : i32
    %c0_i32_0 = arith.constant 0 : i32
    %c0_i32_1 = arith.constant 0 : i32
    return %c0_i32, %c0_i32_0 : i32, i32
  }
  func.func @transform_4(%arg0: i32) -> (i32, i32) {
    %c0_i32 = arith.constant 0 : i32
    %c0_i32_0 = arith.constant 0 : i32
    return %arg0, %c0_i32 : i32, i32
  }
}

module attributes {stable_mosaic.version = 14 : i64} {
  func.func @body(%arg0: i32, %arg1: memref<2x2048x64xf32, #tpu.memory_space<vmem>>, %arg2: memref<2x2048x16xf32, #tpu.memory_space<vmem>>, %arg3: memref<1x64xf32, #tpu.memory_space<vmem>>, %arg4: memref<64x128xf32, #tpu.memory_space<vmem>>, %arg5: memref<1x128xf32, #tpu.memory_space<vmem>>, %arg6: memref<2048x128xf32, #tpu.memory_space<vmem>>) attributes {dimension_semantics = [#tpu.dimension_semantics<arbitrary>], iteration_bounds = array<i64: 5>, scalar_prefetch = 0 : i64, scratch_operands = 0 : i64, tpu.core_type = #tpu.core_type<tc>, window_params = [{transform_indices = @transform_0, window_bounds = array<i64: 2, 2048, 64>}, {transform_indices = @transform_1, window_bounds = array<i64: 2, 2048, 16>}, {pipeline_mode = #tpu.pipeline_mode<synchronous>, transform_indices = @transform_2, window_bounds = array<i64: 1, 64>}, {pipeline_mode = #tpu.pipeline_mode<synchronous>, transform_indices = @transform_3, window_bounds = array<i64: 64, 128>}, {pipeline_mode = #tpu.pipeline_mode<synchronous>, transform_indices = @transform_4, window_bounds = array<i64: 1, 128>}, {transform_indices = @transform_5, window_bounds = array<i64: 2048, 128>}]} {
    %get3A = arith.constant 0 : index
    %get3A_0 = arith.constant 0 : index
    %get3A_1 = arith.constant 0 : index
    %get3A_2 = vector.load %arg2[%get3A, %get3A_0, %get3A_1] : memref<2x2048x16xf32, #tpu.memory_space<vmem>>, vector<1x2048x1xf32>
    %get3A_3 = vector.shape_cast %get3A_2 : vector<1x2048x1xf32> to vector<2048x1xf32>
    %get3A_4 = arith.constant 1 : index
    %get3A_5 = arith.constant 0 : index
    %get3A_6 = arith.constant 0 : index
    %get3A_7 = vector.load %arg2[%get3A_4, %get3A_5, %get3A_6] : memref<2x2048x16xf32, #tpu.memory_space<vmem>>, vector<1x2048x1xf32>
    %get3A_8 = vector.shape_cast %get3A_7 : vector<1x2048x1xf32> to vector<2048x1xf32>
    %add3A = arith.addf %get3A_3, %get3A_8 : vector<2048x1xf32>
    %gt3A = arith.constant 0.000000e+00 : f32
    %gt3A_9 = vector.broadcast %gt3A : f32 to vector<2048x1xf32>
    %gt3A_10 = arith.cmpf ogt, %add3A, %gt3A_9 : vector<2048x1xf32>
    %rsqrt3A = math.rsqrt %add3A : vector<2048x1xf32>
    %jit3A = arith.constant 0.000000e+00 : f32
    %broadcast_in_dim3A = vector.broadcast %jit3A : f32 to vector<2048x1xf32>
    %select_n3A = arith.select %gt3A_10, %rsqrt3A, %broadcast_in_dim3A : vector<2048x1xi1>, vector<2048x1xf32>
    %get3A_11 = arith.constant 0 : index
    %get3A_12 = arith.constant 0 : index
    %get3A_13 = arith.constant 0 : index
    %get3A_14 = vector.load %arg1[%get3A_11, %get3A_12, %get3A_13] : memref<2x2048x64xf32, #tpu.memory_space<vmem>>, vector<1x2048x64xf32>
    %get3A_15 = vector.shape_cast %get3A_14 : vector<1x2048x64xf32> to vector<2048x64xf32>
    %get3A_16 = arith.constant 1 : index
    %get3A_17 = arith.constant 0 : index
    %get3A_18 = arith.constant 0 : index
    %get3A_19 = vector.load %arg1[%get3A_16, %get3A_17, %get3A_18] : memref<2x2048x64xf32, #tpu.memory_space<vmem>>, vector<1x2048x64xf32>
    %get3A_20 = vector.shape_cast %get3A_19 : vector<1x2048x64xf32> to vector<2048x64xf32>
    %add3A_21 = arith.addf %get3A_15, %get3A_20 : vector<2048x64xf32>
    %mul3A = vector.broadcast %select_n3A : vector<2048x1xf32> to vector<2048x64xf32>
    %mul3A_22 = arith.mulf %add3A_21, %mul3A : vector<2048x64xf32>
    %get3A_23 = arith.constant 0 : index
    %get3A_24 = arith.constant 0 : index
    %get3A_25 = vector.load %arg3[%get3A_23, %get3A_24] : memref<1x64xf32, #tpu.memory_space<vmem>>, vector<1x64xf32>
    %add3A_26 = vector.broadcast %get3A_25 : vector<1x64xf32> to vector<2048x64xf32>
    %add3A_27 = arith.addf %mul3A_22, %add3A_26 : vector<2048x64xf32>
    %max3A = arith.constant 0.000000e+00 : f32
    %max3A_28 = vector.broadcast %max3A : f32 to vector<2048x64xf32>
    %max3A_29 = arith.maximumf %add3A_27, %max3A_28 : vector<2048x64xf32>
    %get3A_30 = arith.constant 0 : index
    %get3A_31 = arith.constant 0 : index
    %get3A_32 = vector.load %arg4[%get3A_30, %get3A_31] : memref<64x128xf32, #tpu.memory_space<vmem>>, vector<64x128xf32>
    %dot_general3A = arith.constant dense<0.000000e+00> : vector<2048x128xf32>
    %dot_general3A_33 = tpu.matmul %max3A_29, %get3A_32, %dot_general3A {dimension_numbers = #tpu.dot_dimension_numbers<[1], [0], [0], [1], [0, 0, 1, 1], [], []>, transpose_lhs_hint = false} : vector<2048x64xf32>, vector<64x128xf32>, vector<2048x128xf32> -> vector<2048x128xf32>
    %get3A_34 = arith.constant 0 : index
    %get3A_35 = arith.constant 0 : index
    %get3A_36 = vector.load %arg5[%get3A_34, %get3A_35] : memref<1x128xf32, #tpu.memory_space<vmem>>, vector<1x128xf32>
    %add3A_37 = vector.broadcast %get3A_36 : vector<1x128xf32> to vector<2048x128xf32>
    %add3A_38 = arith.addf %dot_general3A_33, %add3A_37 : vector<2048x128xf32>
    %swap3A = arith.constant 0 : index
    %swap3A_39 = arith.constant 0 : index
    %swap3A_40 = vector.load %arg6[%swap3A, %swap3A_39] : memref<2048x128xf32, #tpu.memory_space<vmem>>, vector<2048x128xf32>
    tpu.vector_store %arg6[%swap3A, %swap3A_39], %add3A_38 {strides = array<i32>} : memref<2048x128xf32, #tpu.memory_space<vmem>>, vector<2048x128xf32>,
    return
  }
  func.func @transform_0(%arg0: i32) -> (i32, i32, i32) {
    %c0_i32 = arith.constant 0 : i32
    %c0_i32_0 = arith.constant 0 : i32
    %c0_i32_1 = arith.constant 0 : i32
    return %c0_i32, %arg0, %c0_i32_0 : i32, i32, i32
  }
  func.func @transform_1(%arg0: i32) -> (i32, i32, i32) {
    %c0_i32 = arith.constant 0 : i32
    %c0_i32_0 = arith.constant 0 : i32
    %c0_i32_1 = arith.constant 0 : i32
    return %c0_i32, %arg0, %c0_i32_0 : i32, i32, i32
  }
  func.func @transform_2(%arg0: i32) -> (i32, i32) {
    %c0_i32 = arith.constant 0 : i32
    %c0_i32_0 = arith.constant 0 : i32
    %c0_i32_1 = arith.constant 0 : i32
    return %c0_i32, %c0_i32_0 : i32, i32
  }
  func.func @transform_3(%arg0: i32) -> (i32, i32) {
    %c0_i32 = arith.constant 0 : i32
    %c0_i32_0 = arith.constant 0 : i32
    %c0_i32_1 = arith.constant 0 : i32
    return %c0_i32, %c0_i32_0 : i32, i32
  }
  func.func @transform_4(%arg0: i32) -> (i32, i32) {
    %c0_i32 = arith.constant 0 : i32
    %c0_i32_0 = arith.constant 0 : i32
    %c0_i32_1 = arith.constant 0 : i32
    return %c0_i32, %c0_i32_0 : i32, i32
  }
  func.func @transform_5(%arg0: i32) -> (i32, i32) {
    %c0_i32 = arith.constant 0 : i32
    %c0_i32_0 = arith.constant 0 : i32
    return %arg0, %c0_i32 : i32, i32
  }
}

</mosaic_0001>

<sc_bundles>
// kernel: kernel.12.cloned.1.call-start
scs
__scs_entry_jumppad:
0x0: {  	(pc) =	sbr.rel $0x88, $3  }
0x1: {  	(tag) =	ssettag $0x0;
	lr =	simm.s32 $0x1  }
0x2: {  	[smem:$0x3F99] =	sst lr;
	_ =	strace $0xD0000000  }
0x3: {  	_ = 	snop  }
0x4: {  	_ = 	snop  }
0x5: {  	_ = 	snop  }
0x6: {  	_ = 	snop  }
0x7: {  	_ = 	snop  }
__scs_overlays_trampoline_lowered:
0x8: {  	[smem:$0x3FA8] =	sst s0  }
0x9: {  	[smem:$0x3FA9] =	sst s1  }
0xa: {  	[smem:$0x3FAA] =	sst s2  }
0xb: {  	[smem:$0x3FAB] =	sst s3  }
0xc: {  	[smem:$0x3FAC] =	sst s4  }
0xd: {  	[smem:$0x3FAD] =	sst s5  }
0xe: {  	[smem:$0x3FAE] =	sst s6  }
0xf: {  	[smem:$0x3FAF] =	sst s7  }
0x10: {  	[smem:$0x3FB0] =	sst s8  }
0x11: {  	[smem:$0x3FB1] =	sst s9;
	s0 =	simm.s32 @!p0 $0x0  }
0x12: {  	s1 =	sld [smem:$0x3F97];
	s0 =	simm.s32 @p0 $0x1  }
0x13: {  	[smem:$0x3FB2] =	sst s0;
	s0 =	simm.s32 @!p1 $0x0  }
0x14: {  	s2 =	sld [smem:$0x3F96];
	s0 =	simm.s32 @p1 $0x1  }
0x15: {  	[smem:$0x3FB3] =	sst s0;
	s0 =	simm.s32 @!p2 $0x0  }
0x16: {  	s3 =	sld [smem:$0x3FDB];
	s0 =	simm.s32 @p2 $0x1  }
0x17: {  	s4 =	simm.s32 $0x1BF5;
	[smem:$0x3FB5] =	sst s0  }
0x18: {  	s0 =	sld [smem:$0x3F98];
	_ =	swait.ge [sflag:s4], $0x0  }
0x19: {  	s7 =	sld [smem:$0x3F99]  }
0x1a: {  	s8 =	sadd.s32 $0xFFFFE003, lr  }
0x1b: {  	s9 =	sadd.s32 $0xFFFFFEF7, lr;
	s5 =	simm.s32 $0xFFFFFFFF;
	p2 =	slt.u32 s8, $0xFFFFF086  }
0x1c: {  	p1 =	slt.u32 s9, $0xF7A;
	s5 =	simm.s32 @!p2 $0x0  }
0x1d: {  	s5 =	simm.s32 @p1 $0x1;
	p0 =	seq.s32 s7, s2  }
0x1e: {  	s7 =	smul.u32 @!p0 $0xF7A, s2;
	p2 =	seq.s32 @!p0 s5, $0x0  }
0x1f: {  	s9 =	smul.u32 $0xF7A, s1;
	s8 =	simm.s32 @!p0 $0x1BF5;
	p2 =	por !p2, p0  }
0x20: {  	[sflag:s8] =	ssyncset.s32 @!p0 $0xFFFFF086;
	s6 =	sadd.s32 @!p0 s3, s7;
	s7 =	simm.s32 @!p0 $0x108  }
0x21: {  	s3 =	sadd.s32 s3, s9;
	s6 =	sadd.s32 @!p0 $0x88, s6;
	s7 =	simm.s32 @p2 $0x1082  }
0x22: {  	[simem:s7], [sflag:s8] =	dma.local @!p0 [hbm:s6], $0xF7A  }
0x23: {  	s9 =	sor.u32 $0xD0000000, s2;
	s6 =	simm.s32 $0x108;
	_ =	swait.ge @!p0 [sflag:s8], $0x0  }
0x24: {  	s3 =	sadd.s32 $0x88, s3;
	s6 =	simm.s32 @!p1 $0x1082;
	[sflag:s4] =	ssyncset.s32 $0xFFFFF086  }
0x25: {  	[simem:s6], [sflag:s4] =	dma.local [hbm:s3], $0xF7A  }
0x26: {  	[smem:$0x3F99] =	sst s1;
	(tag) =	ssettag s2;
	_ =	strace s9  }
0x27: {  	s1 =	sld [smem:$0x3FA9]  }
0x28: {  	s2 =	sld [smem:$0x3FAA]  }
0x29: {  	s4 =	sld [smem:$0x3FAC]  }
0x2a: {  	p0 =	seq.s32 s5, $0x0;
	s5 =	sld [smem:$0x3FAD]  }
0x2b: {  	s6 =	sld [smem:$0x3FAE]  }
0x2c: {  	s7 =	sld [smem:$0x3FAF]  }
0x2d: {  	s3 =	simm.s32 $0x108;
	s8 =	sld [smem:$0x3FB0]  }
0x2e: {  	s3 =	simm.s32 @!p0 $0x1082;
	s9 =	sld [smem:$0x3FB1]  }
0x2f: {  	lr =	sadd.s32 s0, s3;
	s0 =	sld [smem:$0x3FA8]  }
0x30: {  	s3 =	sld [smem:$0x3FAB]  }
0x31: {  	[smem:$0x3FB4] =	sst s10  }
0x32: {  	s10 =	sld [smem:$0x3FB2];
	_ =	sdelay $0x3  }
0x33: {  	p0 =	seq.s32 s10, $0x1;
	s10 =	sld [smem:$0x3FB4];
	_ =	sdelay $0x3  }
0x34: {  	[smem:$0x3FB4] =	sst s10  }
0x35: {  	s10 =	sld [smem:$0x3FB3];
	_ =	sdelay $0x3  }
0x36: {  	p1 =	seq.s32 s10, $0x1;
	s10 =	sld [smem:$0x3FB4];
	_ =	sdelay $0x3  }
0x37: {  	[smem:$0x3FB4] =	sst s10  }
0x38: {  	s10 =	sld [smem:$0x3FB5]  }
0x39: {  	_ = 	snop;
	(pc) =	sbr.ind lr, $3  }
0x3a: {  	_ = 	snop  }
0x3b: {  	_ = 	snop  }
0x3c: {  	p2 =	seq.s32 s10, $0x1;
	s10 =	sld [smem:$0x3FB4]  }
0x3d: {  	_ =	shalt  }
0x3e: {  	_ =	shalt  }
0x3f: {  	_ =	shalt  }
0x40: {  	_ =	shalt  }
0x41: {  	_ =	shalt  }
0x42: {  	_ =	shalt  }
0x43: {  	_ =	shalt  }
0x44: {  	_ =	shalt  }
0x45: {  	_ =	shalt  }
0x46: {  	_ =	shalt  }
0x47: {  	_ =	shalt  }
0x48: {  	_ =	shalt  }
0x49: {  	_ =	shalt  }
0x4a: {  	_ =	shalt  }
0x4b: {  	_ =	shalt  }
0x4c: {  	_ =	shalt  }
0x4d: {  	_ =	shalt  }
0x4e: {  	_ =	shalt  }
0x4f: {  	_ =	shalt  }
0x50: {  	_ =	shalt  }
0x51: {  	_ =	shalt  }
0x52: {  	_ =	shalt  }
0x53: {  	_ =	shalt  }
0x54: {  	_ =	shalt  }
0x55: {  	_ =	shalt  }
0x56: {  	_ =	shalt  }
0x57: {  	_ =	shalt  }
0x58: {  	_ =	shalt  }
0x59: {  	_ =	shalt  }
0x5a: {  	_ =	shalt  }
0x5b: {  	_ =	shalt  }
0x5c: {  	_ =	shalt  }
0x5d: {  	_ =	shalt  }
0x5e: {  	_ =	shalt  }
0x5f: {  	_ =	shalt  }
0x60: {  	_ =	shalt  }
0x61: {  	_ =	shalt  }
0x62: {  	_ =	shalt  }
0x63: {  	_ =	shalt  }
0x64: {  	_ =	shalt  }
0x65: {  	_ =	shalt  }
0x66: {  	_ =	shalt  }
0x67: {  	_ =	shalt  }
0x68: {  	_ =	shalt  }
0x69: {  	_ =	shalt  }
0x6a: {  	_ =	shalt  }
0x6b: {  	_ =	shalt  }
0x6c: {  	_ =	shalt  }
0x6d: {  	_ =	shalt  }
0x6e: {  	_ =	shalt  }
0x6f: {  	_ =	shalt  }
0x70: {  	_ =	shalt  }
0x71: {  	_ =	shalt  }
0x72: {  	_ =	shalt  }
0x73: {  	_ =	shalt  }
0x74: {  	_ =	shalt  }
0x75: {  	_ =	shalt  }
0x76: {  	_ =	shalt  }
0x77: {  	_ =	shalt  }
0x78: {  	_ =	shalt  }
0x79: {  	_ =	shalt  }
0x7a: {  	_ =	shalt  }
0x7b: {  	_ =	shalt  }
0x7c: {  	_ =	shalt  }
0x7d: {  	_ =	shalt  }
0x7e: {  	_ =	shalt  }
0x7f: {  	_ =	shalt  }
0x80: {  	_ =	shalt  }
0x81: {  	_ =	shalt  }
0x82: {  	_ =	shalt  }
0x83: {  	_ =	shalt  }
0x84: {  	_ =	shalt  }
0x85: {  	_ =	shalt  }
0x86: {  	_ =	shalt  }
0x87: {  	_ =	shalt  }
.Lfunc_end0:
.L_simem_size_0:
called_computation.1_lowered:
.L_overlay_start_0:
0x88: {  	s2 =	sld [smem:$0x3FD9]  }
0x89: {  	s3 =	sld [smem:$0x3FFE];
	_ =	sdelay $0x1  }
0x8a: {  	s1 =	srdreg.scid  }
0x8b: {  	s0 =	sand.u32 $0x1, s1  }
0x8c: {  	s17 =	sshll.u32 s0, $0xA;
	s2 =	sadd.s32 s3, s2  }
0x8d: {  	s2 =	sadd.s32 s2, s17  }
0x8e: {  	[smem:$0x3FC0] =	sst s2  }
0x8f: {  	_ = 	snop  }
0x90: {  	s2 =	sld [smem:$0x3FD0];
	(tm) =	ssettm $0x1  }
0x91: {  	s18 =	sld [smem:$0x3FFB];
	_ =	sdelay $0x3  }
0x92: {  	_ =	strace s18  }
0x93: {  	s3 =	sld [smem:$0x3FFC];
	_ =	sdelay $0x3  }
0x94: {  	_ =	strace s3  }
0x95: {  	s3 =	sld [smem:$0x3FFD];
	_ =	sdelay $0x3  }
0x96: {  	_ =	strace s3  }
0x97: {  	_ =	strace $0x8FFFFFFF  }
0x98: {  	s19 =	sld [smem:$0x3FDB];
	_ =	sdelay $0x1  }
0x99: {  	s4 =	simm.s32 $_scs_section_size  }
0x9a: {  	s5 =	simm.s32 $_size__tile_overlayer_lowered;
	s6 =	simm.s32 $_tile_overlayer_lowered  }
0x9b: {  	s22 =	simm.s32 $0x1BFF;
	s21 =	sshll.u32 s6, $0x1;
	s3 =	sadd.s32 s4, s19  }
0x9c: {  	s7 =	simm.s32 $0x0;
	s20 =	sshll.u32 s5, $0x1;
	s5 =	sadd.s32 s21, s3  }
0x9d: {  	[timem:s7], [sflag:s22] =	dma.local [hbm:s5], s20  }
0x9e: {  	_ =	swait.ge [sflag:s22], s20  }
0x9f: {  	s4 =	ssub.s32 $0x0, s20;
	[sflag:s22] =	ssyncset.done $0x0  }
0xa0: {  	[sflag:s22] =	ssyncadd.s32 s4;
	_ =	sdelay $0x1  }
0xa1: {  	s23 =	simm.s32 $0x1B8B  }
0xa2: {  	_ =	swait.ge [sflag:s23], $0x1  }
0xa3: {  	[sflag:s23] =	ssyncset.done $0x0  }
0xa4: {  	s25 =	simm.s32 $0x1B8E;
	s24 =	sld [smem:$0x3FFE];
	[sflag:s23] =	ssyncadd.s32 $0xFFFFFFFF  }
0xa5: {  	s26 =	simm.s32 $execute0_lowered;
	[smem:$0x3FD2] =	sst s25  }
0xa6: {  	s5 =	sshll.u32 s26, $0x1;
	_ =	strace $0x80000049;
	[dreg:$0x1] =	wrdreg $0xFFFFFFFF  }
0xa7: {  	s28 =	simm.s32 $_size_execute0_lowered;
	s3 =	sadd.s32 s3, s5;
	[dreg:$0x0] =	wrdreg $0x0  }
0xa8: {  	s5 =	sshll.u32 s28, $0x1;
	[dreg:$0x2] =	wrdreg s3  }
0xa9: {  	[dreg:$0x3] =	wrdreg s5  }
0xaa: {  	[dreg:$0x4] =	wrdreg $0xC0  }
0xab: {  	_ =	task [dreg:s7], $0x5FFFF  }
0xac: {  	[dreg:$0x1] =	wrdreg $0xFFFFFFFF  }
0xad: {  	[dreg:$0x0] =	wrdreg $0x60  }
0xae: {  	[dreg:$0x2] =	wrdreg s24  }
0xaf: {  	[dreg:$0x3] =	wrdreg s2  }
0xb0: {  	[dreg:$0x4] =	wrdreg $0xA2000  }
0xb1: {  	[dreg:$0x5] =	wrdreg $0x9  }
0xb2: {  	_ =	task.clear_ibuf [dreg:s7], $0x6FFFF;
	_ =	strace $0x90000049  }
0xb3: {  	s29 =	simm.s32 $0x9;
	_ =	strace $0x8000004B  }
0xb4: {  	_ =	swait.ge [sflag:s29], $0x1  }
0xb5: {  	[sflag:s29] =	ssyncadd.s32 $0xFFFFFFFF  }
0xb6: {  	_ =	strace $0x9000004B  }
0xb7: {  	_ =	sfence  }
0xb8: {  	s30 =	sld [smem:$0x0];
	_ =	sdelay $0x2  }
0xb9: {  	s31 =	sshll.u32 s1, $0xD;
	s1 =	sshrl.u32 s1, $0x2  }
0xba: {  	s3 =	sand.u32 $0x4000, s31;
	s1 =	sadd.s32 s1, s30  }
0xbb: {  	s0 =	sor.u32 s3, s0;
	s1 =	sshll.u32 s1, $0x11  }
0xbc: {  	s0 =	sor.u32 s1, s0  }
0xbd: {  	s0 =	sadd.s32 $0x8F2B, s0  }
0xbe: {  	[sflag:s0] =	ssyncadd.remote.s32 $0x1  }
0xbf: {  	_ =	sfence.sel $0xFFFF  }
0xc0: {  	[dreg:$0x0] =	wrdreg $0xFFFFFFFF;
	(pc) =	sbr.abs _section_cstart, $3  }
0xc1: {  	[dreg:$0x1] =	wrdreg $0xFFFFFFFF  }
0xc2: {  	_ =	task.clear_ibuf [dreg:s7], $0x2FFFF;
	_ =	strace $0x9FFFFFFF  }
0xc3: {  	(tm) =	ssettm $0x7FFFFFFF  }
tec
execute0_lowered:
.L_overlay_start_1:
0x0: {  	(tag) =	ssettag $0x1  }
0x1: {  	s0 =	rddreg [dreg:$0x0]  }
0x2: {  	s1 =	rddreg [dreg:$0x1]  }
0x3: {  	s2 =	rddreg [dreg:$0x2]  }
0x4: {  	s4 =	simm.s32 $0x0;
	s3 =	srdreg.scid;
	s12 =	stileid.u32  }
0x5: {  	s28 =	simm.s32 $0x8200;
	s29 =	simm.s32 $0x3;
	s9 =	smul.u32 $0x50000, s12  }
0x6: {  	s30 =	simm.s32 $0x100;
	s31 =	simm.s32 $0x80;
	s14 =	smul.u32 $0x14000, s12  }
0x7: {  	[smem:$0x7FF] =	sst s4;
	s3 =	sand.u32 $0x1, s3;
	s18 =	smul.u32 $0x5200, s12  }
0x8: {  	s5 =	sshll.u32 s12, $0x1;
	_ =	strace $0x8000004A;
	s7 =	smul.u32 $0x28000, s3  }
0x9: {  	s8 =	ssub.s32 $0x2, s3;
	s6 =	sor.u32 s3, s5;
	s3 =	smul.u32 $0x2900, s3  }
0xa: {  	s5 =	sadd.s32 $0x66200, s0;
	s10 =	sshrl.u32 s8, $0x1;
	s11 =	smul.u32 $0x2900, s6  }
0xb: {  	s6 =	sadd.s32 $0xBE00, s0;
	s16 =	sshrl.u32 s14, $0x3;
	s0 =	sadd.s32 s7, s0  }
0xc: {  	s8 =	ssub.s32 s8, s10;
	s10 =	sshrl.u32 s9, $0x2;
	s3 =	sadd.s32 s3, s18  }
0xd: {  	s13 =	sshrl.u32 s11, $0x3;
	s7 =	sadd.s32 s10, s2;
	s8 =	smax.u32 s8, $0x1  }
0xe: {  	s0 =	sadd.s32 $0x8E200, s0;
	s11 =	sadd.s32 s6, s13;
	[dreg:$0x6] =	wrdreg s8  }
0xf: {  	s10 =	sadd.s32 s14, s2;
	s15 =	sadd.s32 s1, s13;
	[dreg:$0x4] =	wrdreg s11  }
0x10: {  	s9 =	sor.u32 $0x80, s3;
	s20 =	sadd.s32 $0x2000, s7;
	[dreg:$0x5] =	wrdreg s15  }
0x11: {  	s17 =	sadd.s32 $0x510, s13;
	s21 =	sadd.s32 $0x4000, s7;
	[dreg:$0x8] =	wrdreg s20  }
0x12: {  	s22 =	sadd.s32 $0x6000, s7;
	s23 =	sadd.s32 $0x8000, s7;
	[dreg:$0x9] =	wrdreg s21  }
0x13: {  	s24 =	sadd.s32 $0xA000, s7;
	s25 =	sadd.s32 $0xC000, s7;
	[dreg:$0xa] =	wrdreg s22  }
0x14: {  	s18 =	sadd.s32 $0xE000, s7;
	s26 =	sshrl.u32 s9, $0x3;
	[dreg:$0xb] =	wrdreg s23  }
0x15: {  	s8 =	simm.s32 $0x4200;
	s9 =	simm.s32 $0x1;
	[dreg:$0xc] =	wrdreg s24  }
0x16: {  	s19 =	sadd.s32 s6, s17;
	[dreg:$0xd] =	wrdreg s25;
	s20 =	sadd.s32 s1, s17  }
0x17: {  	s21 =	sadd.s32 $0x100, s3;
	s22 =	sadd.s32 s16, s0;
	s23 =	sadd.s32 s26, s1  }
0x18: {  	s24 =	sadd.s32 s26, s6;
	s25 =	sshrl.u32 s10, $0x3;
	s26 =	sadd.s32 $0x12000, s7  }
0x19: {  	s0 =	simm.s32 $0x200;
	s3 =	simm.s32 $0x180;
	s10 =	simm.s32 $0x2  }
0x1a: {  	v0 =	vimm.f32 $0.0e+00;
	s11 =	simm.s32 $0x0;
	[dreg:$0x7] =	wrdreg s19;
	s19 =	sadd.s32 $0x10000, s7  }
.LBB2_1:
0x1b: {  	s12 =	simm.s32 $0x0;
	s13 =	simm.s32 $0x200  }
.LBB2_2:
0x1c: {  	p0 =	sne.s32 s13, $0x7E00;
	[tilespmem:s12+$0x8270] =	vst v0  }
0x1d: {  	[tilespmem:s12+$0x8200] =	vst v0  }
0x1e: {  	[tilespmem:s12+$0x8210] =	vst v0  }
.Ltmp0:
0x1f: {  	[tilespmem:s12+$0x8220] =	vst v0;
	(pc) =	sbr.rel @p0 .LBB2_2-.Ltmp0, $4  }
0x20: {  	[tilespmem:s12+$0x8230] =	vst v0  }
0x21: {  	[tilespmem:s12+$0x8240] =	vst v0  }
0x22: {  	[tilespmem:s12+$0x8250] =	vst v0  }
0x23: {  	[tilespmem:s12+$0x8260] =	vst v0;
	s12 =	sshra.s32 s13, $0x2;
	s13 =	sadd.s32 $0x200, s13  }
0x24: {  	[tilespmem:s12+$0x8270] =	vst v0  }
0x25: {  	[tilespmem:s12+$0x8200] =	vst v0  }
0x26: {  	[tilespmem:s12+$0x8210] =	vst v0  }
0x27: {  	[tilespmem:s12+$0x8220] =	vst v0  }
0x28: {  	[tilespmem:s12+$0x8230] =	vst v0  }
0x29: {  	[tilespmem:s12+$0x8240] =	vst v0  }
0x2a: {  	[tilespmem:s12+$0x8250] =	vst v0  }
0x2b: {  	[tilespmem:s12+$0x8260] =	vst v0  }
0x2c: {  	[spmem:s7] =	stream.linear.scatter [tilespmem:s28], [sflag:$0x3], $0x2000, $0x38;
	[tilespmem:$0x1E200] =	vst v63  }
0x2d: {  	_ =	swait.ge [sflag:s29], $0x2000  }
0x2e: {  	[sflag:s29] =	ssyncset.done $0x0  }
0x2f: {  	s15 =	rddreg [dreg:$0x8];
	[sflag:s29] =	ssyncadd.s32 $0xFFFFE000  }
0x30: {  	[spmem:s15] =	stream.linear.scatter [tilespmem:s28], [sflag:$0x3], $0x2000, $0x38;
	[tilespmem:$0x1E200] =	vst v63  }
0x31: {  	_ =	swait.ge [sflag:s29], $0x2000  }
0x32: {  	[sflag:s29] =	ssyncset.done $0x0  }
0x33: {  	s16 =	rddreg [dreg:$0x9];
	[sflag:s29] =	ssyncadd.s32 $0xFFFFE000  }
0x34: {  	[spmem:s16] =	stream.linear.scatter [tilespmem:s28], [sflag:$0x3], $0x2000, $0x38;
	[tilespmem:$0x1E200] =	vst v63  }
0x35: {  	_ =	swait.ge [sflag:s29], $0x2000  }
0x36: {  	[sflag:s29] =	ssyncset.done $0x0  }
0x37: {  	s17 =	rddreg [dreg:$0xa];
	[sflag:s29] =	ssyncadd.s32 $0xFFFFE000  }
0x38: {  	[spmem:s17] =	stream.linear.scatter [tilespmem:s28], [sflag:$0x3], $0x2000, $0x38;
	[tilespmem:$0x1E200] =	vst v63  }
0x39: {  	_ =	swait.ge [sflag:s29], $0x2000  }
0x3a: {  	[sflag:s29] =	ssyncset.done $0x0  }
0x3b: {  	s13 =	rddreg [dreg:$0xb];
	[sflag:s29] =	ssyncadd.s32 $0xFFFFE000  }
0x3c: {  	[spmem:s13] =	stream.linear.scatter [tilespmem:s28], [sflag:$0x3], $0x2000, $0x38;
	[tilespmem:$0x1E200] =	vst v63  }
0x3d: {  	_ =	swait.ge [sflag:s29], $0x2000  }
0x3e: {  	[sflag:s29] =	ssyncset.done $0x0  }
0x3f: {  	s14 =	rddreg [dreg:$0xc];
	[sflag:s29] =	ssyncadd.s32 $0xFFFFE000  }
0x40: {  	[spmem:s14] =	stream.linear.scatter [tilespmem:s28], [sflag:$0x3], $0x2000, $0x38;
	[tilespmem:$0x1E200] =	vst v63  }
0x41: {  	_ =	swait.ge [sflag:s29], $0x2000  }
0x42: {  	[sflag:s29] =	ssyncset.done $0x0  }
0x43: {  	s15 =	rddreg [dreg:$0xd];
	[sflag:s29] =	ssyncadd.s32 $0xFFFFE000  }
0x44: {  	[spmem:s15] =	stream.linear.scatter [tilespmem:s28], [sflag:$0x3], $0x2000, $0x38;
	[tilespmem:$0x1E200] =	vst v63  }
0x45: {  	_ =	swait.ge [sflag:s29], $0x2000  }
0x46: {  	[sflag:s29] =	ssyncset.done $0x0  }
0x47: {  	[sflag:s29] =	ssyncadd.s32 $0xFFFFE000  }
0x48: {  	[spmem:s18] =	stream.linear.scatter [tilespmem:s28], [sflag:$0x3], $0x2000, $0x38;
	[tilespmem:$0x1E200] =	vst v63  }
0x49: {  	_ =	swait.ge [sflag:s29], $0x2000  }
0x4a: {  	[sflag:s29] =	ssyncset.done $0x0  }
0x4b: {  	[sflag:s29] =	ssyncadd.s32 $0xFFFFE000  }
0x4c: {  	[spmem:s19] =	stream.linear.scatter [tilespmem:s28], [sflag:$0x3], $0x2000, $0x38;
	[tilespmem:$0x1E200] =	vst v63  }
0x4d: {  	_ =	swait.ge [sflag:s29], $0x2000  }
0x4e: {  	[sflag:s29] =	ssyncset.done $0x0  }
0x4f: {  	[sflag:s29] =	ssyncadd.s32 $0xFFFFE000  }
0x50: {  	[spmem:s26] =	stream.linear.scatter [tilespmem:s28], [sflag:$0x3], $0x2000, $0x38;
	[tilespmem:$0x1E200] =	vst v63  }
0x51: {  	_ =	swait.ge [sflag:s29], $0x2000  }
0x52: {  	[sflag:s29] =	ssyncset.done $0x0  }
0x53: {  	[sflag:s29] =	ssyncadd.s32 $0xFFFFE000  }
0x54: {  	[bflag:$0x0] =	sbarrier.arrive $0xFFFF  }
0x55: {  	s16 =	simm.s32 $0x0;
	s13 =	rddreg [dreg:$0x4]  }
0x56: {  	[tilespmem:s16], [sflag:$0x3] =	stream.linear.gather [hbm4b:s13+s16], $0x80, $0x38;
	[tilespmem:$0x1E200] =	vst v63  }
0x57: {  	_ =	swait.ge [sflag:s29], $0x80  }
0x58: {  	[sflag:s29] =	ssyncset.done $0x0  }
0x59: {  	s17 =	rddreg [dreg:$0x5];
	[sflag:s29] =	ssyncadd.s32 $0xFFFFFF80  }
0x5a: {  	[tilespmem:s30], [sflag:$0x3] =	stream.linear.gather [hbm4b:s17+s16], $0x80, $0x38;
	[tilespmem:$0x1E200] =	vst v63  }
0x5b: {  	_ =	swait.ge [sflag:s29], $0x80  }
0x5c: {  	[sflag:s29] =	ssyncset.done $0x0  }
0x5d: {  	[sflag:s29] =	ssyncadd.s32 $0xFFFFFF80  }
0x5e: {  	[tilespmem:s0], [sflag:$0x1] =	stream.indirect.gather [hbm4b:s5+s31], $0x80, s16, s31, $0xb8;
	[tilespmem:$0x1E200] =	vst v63  }
0x5f: {  	s14 =	sadd.s32 $0x0, s24  }
0x60: {  	[tilespmem:s31], [sflag:$0x3] =	stream.linear.gather [hbm4b:s14+s4], $0x80, $0x38;
	[tilespmem:$0x1E200] =	vst v63  }
0x61: {  	_ =	swait.ge [sflag:s29], $0x80  }
0x62: {  	[sflag:s29] =	ssyncset.done $0x0  }
0x63: {  	s15 =	sadd.s32 $0x0, s23;
	[sflag:s29] =	ssyncadd.s32 $0xFFFFFF80  }
0x64: {  	[tilespmem:s3], [sflag:$0x3] =	stream.linear.gather [hbm4b:s15+s4], $0x80, $0x38;
	[tilespmem:$0x1E200] =	vst v63  }
0x65: {  	_ =	swait.ge [sflag:s29], $0x80  }
0x66: {  	[sflag:s29] =	ssyncset.done $0x0  }
0x67: {  	[sflag:s29] =	ssyncadd.s32 $0xFFFFFF80  }
0x68: {  	[tilespmem:s8], [sflag:$0x2] =	stream.indirect.gather [hbm4b:s5+s31], $0x80, s31, s31, $0xb8;
	[tilespmem:$0x1E200] =	vst v63  }
0x69: {  	_ =	swait.ge [sflag:s9], $0x4000  }
0x6a: {  	[sflag:s9] =	ssyncset.done $0x0  }
0x6b: {  	[sflag:s9] =	ssyncadd.s32 $0xFFFFC000  }
0x6c: {  	[spmem:s2] =	stream.indirect.scatter.add.f32 [tilespmem:s0], [sflag:$0x3], $0x80, s30, s31, $0xb8;
	[tilespmem:$0x1E200] =	vst v63  }
0x6d: {  	_ =	swait.ge [sflag:s29], $0x4000  }
0x6e: {  	s16 =	sshrl.u32 s21, $0x3;
	[sflag:s29] =	ssyncset.done $0x0  }
0x6f: {  	s17 =	sadd.s32 s6, s16;
	[sflag:s29] =	ssyncadd.s32 $0xFFFFC000  }
0x70: {  	[tilespmem:s4], [sflag:$0x3] =	stream.linear.gather [hbm4b:s17+s4], $0x80, $0x38;
	[tilespmem:$0x1E200] =	vst v63  }
0x71: {  	_ =	swait.ge [sflag:s29], $0x80  }
0x72: {  	[sflag:s29] =	ssyncset.done $0x0  }
0x73: {  	s12 =	sadd.s32 s1, s16;
	[sflag:s29] =	ssyncadd.s32 $0xFFFFFF80  }
0x74: {  	[tilespmem:s30], [sflag:$0x3] =	stream.linear.gather [hbm4b:s12+s4], $0x80, $0x38;
	[tilespmem:$0x1E200] =	vst v63  }
0x75: {  	_ =	swait.ge [sflag:s29], $0x80  }
0x76: {  	[sflag:s29] =	ssyncset.done $0x0  }
0x77: {  	[sflag:s29] =	ssyncadd.s32 $0xFFFFFF80  }
0x78: {  	[tilespmem:s0], [sflag:$0x1] =	stream.indirect.gather [hbm4b:s5+s31], $0x80, s4, s31, $0xb8;
	[tilespmem:$0x1E200] =	vst v63  }
0x79: {  	_ =	swait.ge [sflag:s10], $0x4000  }
0x7a: {  	[sflag:s10] =	ssyncset.done $0x0  }
0x7b: {  	[sflag:s10] =	ssyncadd.s32 $0xFFFFC000  }
0x7c: {  	[spmem:s2] =	stream.indirect.scatter.add.f32 [tilespmem:s8], [sflag:$0x3], $0x80, s3, s31, $0xb8;
	[tilespmem:$0x1E200] =	vst v63  }
0x7d: {  	s13 =	simm.s32 $0x20;
	_ =	swait.ge [sflag:s29], $0x4000  }
0x7e: {  	s14 =	simm.s32 $0x40;
	s12 =	sadd.s32 $0x100, s21;
	[sflag:s29] =	ssyncset.done $0x0  }
.LBB2_4:
0x7f: {  	s16 =	sadd.s32 s13, s24  }
0x80: {  	[sflag:s29] =	ssyncadd.s32 $0xFFFFC000;
	s17 =	smov.u32 s14;
	s15 =	sadd.s32 $0x20, s14  }
0x81: {  	[tilespmem:s31], [sflag:$0x3] =	stream.linear.gather [hbm4b:s16+s4], $0x80, $0x38;
	[tilespmem:$0x1E200] =	vst v63  }
0x82: {  	p0 =	sne.s32 s14, $0x4E0;
	_ =	swait.ge [sflag:s29], $0x80  }
0x83: {  	[sflag:s29] =	ssyncset.done $0x0  }
0x84: {  	s14 =	sadd.s32 s13, s23;
	s13 =	smov.u32 s17;
	[sflag:s29] =	ssyncadd.s32 $0xFFFFFF80  }
0x85: {  	[tilespmem:s3], [sflag:$0x3] =	stream.linear.gather [hbm4b:s14+s4], $0x80, $0x38;
	[tilespmem:$0x1E200] =	vst v63  }
0x86: {  	_ =	swait.ge [sflag:s29], $0x80  }
0x87: {  	[sflag:s29] =	ssyncset.done $0x0  }
0x88: {  	[sflag:s29] =	ssyncadd.s32 $0xFFFFFF80  }
0x89: {  	[tilespmem:s8], [sflag:$0x2] =	stream.indirect.gather [hbm4b:s5+s31], $0x80, s31, s31, $0xb8;
	[tilespmem:$0x1E200] =	vst v63  }
0x8a: {  	_ =	swait.ge [sflag:s9], $0x4000  }
0x8b: {  	[sflag:s9] =	ssyncset.done $0x0  }
0x8c: {  	[sflag:s9] =	ssyncadd.s32 $0xFFFFC000  }
0x8d: {  	[spmem:s2] =	stream.indirect.scatter.add.f32 [tilespmem:s0], [sflag:$0x3], $0x80, s30, s31, $0xb8;
	[tilespmem:$0x1E200] =	vst v63  }
0x8e: {  	_ =	swait.ge [sflag:s29], $0x4000  }
0x8f: {  	s14 =	sshrl.u32 s12, $0x3;
	[sflag:s29] =	ssyncset.done $0x0  }
0x90: {  	s16 =	sadd.s32 s6, s14;
	[sflag:s29] =	ssyncadd.s32 $0xFFFFC000  }
0x91: {  	[tilespmem:s4], [sflag:$0x3] =	stream.linear.gather [hbm4b:s16+s4], $0x80, $0x38;
	[tilespmem:$0x1E200] =	vst v63  }
0x92: {  	_ =	swait.ge [sflag:s29], $0x80  }
0x93: {  	[sflag:s29] =	ssyncset.done $0x0  }
0x94: {  	s14 =	sadd.s32 s1, s14;
	[sflag:s29] =	ssyncadd.s32 $0xFFFFFF80  }
0x95: {  	[tilespmem:s30], [sflag:$0x3] =	stream.linear.gather [hbm4b:s14+s4], $0x80, $0x38;
	[tilespmem:$0x1E200] =	vst v63  }
0x96: {  	_ =	swait.ge [sflag:s29], $0x80  }
0x97: {  	[sflag:s29] =	ssyncset.done $0x0  }
0x98: {  	[sflag:s29] =	ssyncadd.s32 $0xFFFFFF80  }
0x99: {  	[tilespmem:s0], [sflag:$0x1] =	stream.indirect.gather [hbm4b:s5+s31], $0x80, s4, s31, $0xb8;
	[tilespmem:$0x1E200] =	vst v63  }
0x9a: {  	_ =	swait.ge [sflag:s10], $0x4000  }
.Ltmp1:
0x9b: {  	[sflag:s10] =	ssyncset.done $0x0;
	(pc) =	sbr.rel @p0 .LBB2_4-.Ltmp1, $4  }
0x9c: {  	[sflag:s10] =	ssyncadd.s32 $0xFFFFC000  }
0x9d: {  	[spmem:s2] =	stream.indirect.scatter.add.f32 [tilespmem:s8], [sflag:$0x3], $0x80, s3, s31, $0xb8;
	[tilespmem:$0x1E200] =	vst v63  }
0x9e: {  	_ =	swait.ge [sflag:s29], $0x4000  }
0x9f: {  	s12 =	sadd.s32 $0x100, s12;
	s14 =	smov.u32 s15;
	[sflag:s29] =	ssyncset.done $0x0  }
0xa0: {  	s14 =	sadd.s32 s13, s24;
	[sflag:s29] =	ssyncadd.s32 $0xFFFFC000  }
0xa1: {  	[tilespmem:s31], [sflag:$0x3] =	stream.linear.gather [hbm4b:s14+s4], $0x80, $0x38;
	[tilespmem:$0x1E200] =	vst v63  }
0xa2: {  	_ =	swait.ge [sflag:s29], $0x80  }
0xa3: {  	[sflag:s29] =	ssyncset.done $0x0  }
0xa4: {  	s17 =	sadd.s32 s13, s23;
	[sflag:s29] =	ssyncadd.s32 $0xFFFFFF80  }
0xa5: {  	[tilespmem:s3], [sflag:$0x3] =	stream.linear.gather [hbm4b:s17+s4], $0x80, $0x38;
	[tilespmem:$0x1E200] =	vst v63  }
0xa6: {  	_ =	swait.ge [sflag:s29], $0x80  }
0xa7: {  	[sflag:s29] =	ssyncset.done $0x0  }
0xa8: {  	[sflag:s29] =	ssyncadd.s32 $0xFFFFFF80  }
0xa9: {  	[tilespmem:s8], [sflag:$0x2] =	stream.indirect.gather [hbm4b:s5+s31], $0x80, s31, s31, $0xb8;
	[tilespmem:$0x1E200] =	vst v63  }
0xaa: {  	_ =	swait.ge [sflag:s9], $0x4000  }
0xab: {  	[sflag:s9] =	ssyncset.done $0x0  }
0xac: {  	[sflag:s9] =	ssyncadd.s32 $0xFFFFC000  }
0xad: {  	[spmem:s2] =	stream.indirect.scatter.add.f32 [tilespmem:s0], [sflag:$0x3], $0x80, s30, s31, $0xb8;
	[tilespmem:$0x1E200] =	vst v63  }
0xae: {  	_ =	swait.ge [sflag:s29], $0x4000  }
0xaf: {  	s12 =	sshrl.u32 s12, $0x3;
	[sflag:s29] =	ssyncset.done $0x0  }
0xb0: {  	s14 =	sadd.s32 s6, s12;
	[sflag:s29] =	ssyncadd.s32 $0xFFFFC000  }
0xb1: {  	[tilespmem:s4], [sflag:$0x3] =	stream.linear.gather [hbm4b:s14+s4], $0x80, $0x38;
	[tilespmem:$0x1E200] =	vst v63  }
0xb2: {  	_ =	swait.ge [sflag:s29], $0x80  }
0xb3: {  	[sflag:s29] =	ssyncset.done $0x0  }
0xb4: {  	s12 =	sadd.s32 s1, s12;
	[sflag:s29] =	ssyncadd.s32 $0xFFFFFF80  }
0xb5: {  	[tilespmem:s30], [sflag:$0x3] =	stream.linear.gather [hbm4b:s12+s4], $0x80, $0x38;
	[tilespmem:$0x1E200] =	vst v63  }
0xb6: {  	_ =	swait.ge [sflag:s29], $0x80  }
0xb7: {  	[sflag:s29] =	ssyncset.done $0x0  }
0xb8: {  	[sflag:s29] =	ssyncadd.s32 $0xFFFFFF80  }
0xb9: {  	[tilespmem:s0], [sflag:$0x1] =	stream.indirect.gather [hbm4b:s5+s31], $0x80, s4, s31, $0xb8;
	[tilespmem:$0x1E200] =	vst v63  }
0xba: {  	_ =	swait.ge [sflag:s10], $0x4000  }
0xbb: {  	[sflag:s10] =	ssyncset.done $0x0  }
0xbc: {  	[sflag:s10] =	ssyncadd.s32 $0xFFFFC000  }
0xbd: {  	[spmem:s2] =	stream.indirect.scatter.add.f32 [tilespmem:s8], [sflag:$0x3], $0x80, s3, s31, $0xb8;
	[tilespmem:$0x1E200] =	vst v63  }
0xbe: {  	_ =	swait.ge [sflag:s29], $0x4000  }
0xbf: {  	[sflag:s29] =	ssyncset.done $0x0  }
0xc0: {  	s15 =	rddreg [dreg:$0x7];
	[sflag:s29] =	ssyncadd.s32 $0xFFFFC000  }
0xc1: {  	[tilespmem:s31], [sflag:$0x3] =	stream.linear.gather [hbm4b:s15+s4], $0x80, $0x38;
	[tilespmem:$0x1E200] =	vst v63  }
0xc2: {  	_ =	swait.ge [sflag:s29], $0x80  }
0xc3: {  	[sflag:s29] =	ssyncset.done $0x0  }
0xc4: {  	[sflag:s29] =	ssyncadd.s32 $0xFFFFFF80  }
0xc5: {  	[tilespmem:s3], [sflag:$0x3] =	stream.linear.gather [hbm4b:s20+s4], $0x80, $0x38;
	[tilespmem:$0x1E200] =	vst v63  }
0xc6: {  	_ =	swait.ge [sflag:s29], $0x80  }
0xc7: {  	[sflag:s29] =	ssyncset.done $0x0  }
0xc8: {  	[sflag:s29] =	ssyncadd.s32 $0xFFFFFF80  }
0xc9: {  	[tilespmem:s8], [sflag:$0x2] =	stream.indirect.gather [hbm4b:s5+s31], $0x80, s31, s31, $0xb8;
	[tilespmem:$0x1E200] =	vst v63  }
0xca: {  	_ =	swait.ge [sflag:s9], $0x4000  }
0xcb: {  	[sflag:s9] =	ssyncset.done $0x0  }
0xcc: {  	[sflag:s9] =	ssyncadd.s32 $0xFFFFC000  }
0xcd: {  	[spmem:s2] =	stream.indirect.scatter.add.f32 [tilespmem:s0], [sflag:$0x3], $0x80, s30, s31, $0xb8;
	[tilespmem:$0x1E200] =	vst v63  }
0xce: {  	_ =	swait.ge [sflag:s29], $0x4000  }
0xcf: {  	[sflag:s29] =	ssyncset.done $0x0  }
0xd0: {  	[sflag:s29] =	ssyncadd.s32 $0xFFFFC000  }
0xd1: {  	_ =	swait.ge [sflag:s10], $0x4000  }
0xd2: {  	[sflag:s10] =	ssyncset.done $0x0  }
0xd3: {  	[sflag:s10] =	ssyncadd.s32 $0xFFFFC000  }
0xd4: {  	[spmem:s2] =	stream.indirect.scatter.add.f32 [tilespmem:s8], [sflag:$0x3], $0x80, s3, s31, $0xb8;
	[tilespmem:$0x1E200] =	vst v63  }
0xd5: {  	_ =	swait.ge [sflag:s29], $0x4000  }
0xd6: {  	s16 =	stileid.u32;
	[sflag:s29] =	ssyncset.done $0x0  }
0xd7: {  	s12 =	sshll.u32 s16, $0x6;
	[sflag:s29] =	ssyncadd.s32 $0xFFFFC000  }
0xd8: {  	s12 =	sor.u32 $0x1C03, s12;
	[bflag:$0x0] =	sbarrier.arrive $0xFFFF  }
0xd9: {  	[hbm:s22], [sflag:s12] =	dma.local [spmem:s25], $0x2800  }
0xda: {  	_ =	swait.ge [sflag:s29], $0x2800  }
0xdb: {  	s11 =	sadd.s32 $0x1, s11;
	s17 =	rddreg [dreg:$0x6]  }
0xdc: {  	p0 =	sne.s32 s11, s17  }
.Ltmp2:
0xdd: {  	_ = 	snop;
	(pc) =	sbr.rel @p0 .LBB2_1-.Ltmp2, $3  }
0xde: {  	_ =	sdelay $0x1  }
0xdf: {  	[sflag:s29] =	ssyncset.done $0x0  }
0xe0: {  	[sflag:s29] =	ssyncadd.s32 $0xFFFFD800  }
0xe1: {  	_ =	sfence.sel $0x180000  }
0xe2: {  	[bflag:$0x0] =	sbarrier.arrive $0xFFFF  }
0xe3: {  	_ =	strace $0x9000004A  }
0xe4: {  	s0 =	stileid.u32;
	[bflag:$0x2] =	sbarrier.arrive $0xFFFF  }
0xe5: {  	p0 =	sne.s32 s0, $0x0;
	s0 =	rddreg [dreg:$0x3]  }
0xe6: {  	s0 =	sadd.s32 @!p0 $0x100000, s0  }
0xe7: {  	[sflag:s0] =	ssyncadd.tile.s32 @!p0 $0x1;
	_ =	shalt  }
.Lfunc_end2:
_tile_overlayer_lowered:
.L_overlay_start_2:
0xe8: {  	(tag) =	ssettag $0x2  }
0xe9: {  	s0 =	rddreg [dreg:$0x0];
	s2 =	stileid.u32  }
0xea: {  	s1 =	rddreg [dreg:$0x1];
	p0 =	sne.s32 s2, $0x0  }
0xeb: {  	s3 =	rddreg [dreg:$0x2];
	[bflag:$0x3] =	sbarrier.arrive $0xFFFF;
	s2 =	simm.s32 @!p0 $0x1C03  }
0xec: {  	[timem:s3], [sflag:s2] =	dma.local @!p0 [hbm:s0], s1  }
0xed: {  	s0 =	simm.s32 @!p0 $0x3  }
0xee: {  	_ =	swait.ge @!p0 [sflag:s0], s1  }
0xef: {  	s1 =	ssub.s32 @!p0 $0x0, s1;
	[sflag:s0] =	ssyncset.done @!p0 $0x0  }
0xf0: {  	[sflag:s0] =	ssyncadd.s32 @!p0 s1  }
0xf1: {  	[bflag:$0x3] =	sbarrier.arrive $0xFFFF  }
0xf2: {  	_ =	shalt  }

// kernel: kernel.15.cloned.1.call-start
scs
__scs_entry_jumppad:
0x0: {  	(pc) =	sbr.rel $0x88, $3  }
0x1: {  	(tag) =	ssettag $0x0;
	lr =	simm.s32 $0x1  }
0x2: {  	[smem:$0x3F99] =	sst lr;
	_ =	strace $0xD0000000  }
0x3: {  	_ = 	snop  }
0x4: {  	_ = 	snop  }
0x5: {  	_ = 	snop  }
0x6: {  	_ = 	snop  }
0x7: {  	_ = 	snop  }
__scs_overlays_trampoline_lowered:
0x8: {  	[smem:$0x3FA8] =	sst s0  }
0x9: {  	[smem:$0x3FA9] =	sst s1  }
0xa: {  	[smem:$0x3FAA] =	sst s2  }
0xb: {  	[smem:$0x3FAB] =	sst s3  }
0xc: {  	[smem:$0x3FAC] =	sst s4  }
0xd: {  	[smem:$0x3FAD] =	sst s5  }
0xe: {  	[smem:$0x3FAE] =	sst s6  }
0xf: {  	[smem:$0x3FAF] =	sst s7  }
0x10: {  	[smem:$0x3FB0] =	sst s8  }
0x11: {  	[smem:$0x3FB1] =	sst s9;
	s0 =	simm.s32 @!p0 $0x0  }
0x12: {  	s1 =	sld [smem:$0x3F97];
	s0 =	simm.s32 @p0 $0x1  }
0x13: {  	[smem:$0x3FB2] =	sst s0;
	s0 =	simm.s32 @!p1 $0x0  }
0x14: {  	s2 =	sld [smem:$0x3F96];
	s0 =	simm.s32 @p1 $0x1  }
0x15: {  	[smem:$0x3FB3] =	sst s0;
	s0 =	simm.s32 @!p2 $0x0  }
0x16: {  	s3 =	sld [smem:$0x3FDB];
	s0 =	simm.s32 @p2 $0x1  }
0x17: {  	s4 =	simm.s32 $0x1BF5;
	[smem:$0x3FB5] =	sst s0  }
0x18: {  	s0 =	sld [smem:$0x3F98];
	_ =	swait.ge [sflag:s4], $0x0  }
0x19: {  	s7 =	sld [smem:$0x3F99]  }
0x1a: {  	s8 =	sadd.s32 $0xFFFFE003, lr  }
0x1b: {  	s9 =	sadd.s32 $0xFFFFFEF7, lr;
	s5 =	simm.s32 $0xFFFFFFFF;
	p2 =	slt.u32 s8, $0xFFFFF086  }
0x1c: {  	p1 =	slt.u32 s9, $0xF7A;
	s5 =	simm.s32 @!p2 $0x0  }
0x1d: {  	s5 =	simm.s32 @p1 $0x1;
	p0 =	seq.s32 s7, s2  }
0x1e: {  	s7 =	smul.u32 @!p0 $0xF7A, s2;
	p2 =	seq.s32 @!p0 s5, $0x0  }
0x1f: {  	s9 =	smul.u32 $0xF7A, s1;
	s8 =	simm.s32 @!p0 $0x1BF5;
	p2 =	por !p2, p0  }
0x20: {  	[sflag:s8] =	ssyncset.s32 @!p0 $0xFFFFF086;
	s6 =	sadd.s32 @!p0 s3, s7;
	s7 =	simm.s32 @!p0 $0x108  }
0x21: {  	s3 =	sadd.s32 s3, s9;
	s6 =	sadd.s32 @!p0 $0x88, s6;
	s7 =	simm.s32 @p2 $0x1082  }
0x22: {  	[simem:s7], [sflag:s8] =	dma.local @!p0 [hbm:s6], $0xF7A  }
0x23: {  	s9 =	sor.u32 $0xD0000000, s2;
	s6 =	simm.s32 $0x108;
	_ =	swait.ge @!p0 [sflag:s8], $0x0  }
0x24: {  	s3 =	sadd.s32 $0x88, s3;
	s6 =	simm.s32 @!p1 $0x1082;
	[sflag:s4] =	ssyncset.s32 $0xFFFFF086  }
0x25: {  	[simem:s6], [sflag:s4] =	dma.local [hbm:s3], $0xF7A  }
0x26: {  	[smem:$0x3F99] =	sst s1;
	(tag) =	ssettag s2;
	_ =	strace s9  }
0x27: {  	s1 =	sld [smem:$0x3FA9]  }
0x28: {  	s2 =	sld [smem:$0x3FAA]  }
0x29: {  	s4 =	sld [smem:$0x3FAC]  }
0x2a: {  	p0 =	seq.s32 s5, $0x0;
	s5 =	sld [smem:$0x3FAD]  }
0x2b: {  	s6 =	sld [smem:$0x3FAE]  }
0x2c: {  	s7 =	sld [smem:$0x3FAF]  }
0x2d: {  	s3 =	simm.s32 $0x108;
	s8 =	sld [smem:$0x3FB0]  }
0x2e: {  	s3 =	simm.s32 @!p0 $0x1082;
	s9 =	sld [smem:$0x3FB1]  }
0x2f: {  	lr =	sadd.s32 s0, s3;
	s0 =	sld [smem:$0x3FA8]  }
0x30: {  	s3 =	sld [smem:$0x3FAB]  }
0x31: {  	[smem:$0x3FB4] =	sst s10  }
0x32: {  	s10 =	sld [smem:$0x3FB2];
	_ =	sdelay $0x3  }
0x33: {  	p0 =	seq.s32 s10, $0x1;
	s10 =	sld [smem:$0x3FB4];
	_ =	sdelay $0x3  }
0x34: {  	[smem:$0x3FB4] =	sst s10  }
0x35: {  	s10 =	sld [smem:$0x3FB3];
	_ =	sdelay $0x3  }
0x36: {  	p1 =	seq.s32 s10, $0x1;
	s10 =	sld [smem:$0x3FB4];
	_ =	sdelay $0x3  }
0x37: {  	[smem:$0x3FB4] =	sst s10  }
0x38: {  	s10 =	sld [smem:$0x3FB5]  }
0x39: {  	_ = 	snop;
	(pc) =	sbr.ind lr, $3  }
0x3a: {  	_ = 	snop  }
0x3b: {  	_ = 	snop  }
0x3c: {  	p2 =	seq.s32 s10, $0x1;
	s10 =	sld [smem:$0x3FB4]  }
0x3d: {  	_ =	shalt  }
0x3e: {  	_ =	shalt  }
0x3f: {  	_ =	shalt  }
0x40: {  	_ =	shalt  }
0x41: {  	_ =	shalt  }
0x42: {  	_ =	shalt  }
0x43: {  	_ =	shalt  }
0x44: {  	_ =	shalt  }
0x45: {  	_ =	shalt  }
0x46: {  	_ =	shalt  }
0x47: {  	_ =	shalt  }
0x48: {  	_ =	shalt  }
0x49: {  	_ =	shalt  }
0x4a: {  	_ =	shalt  }
0x4b: {  	_ =	shalt  }
0x4c: {  	_ =	shalt  }
0x4d: {  	_ =	shalt  }
0x4e: {  	_ =	shalt  }
0x4f: {  	_ =	shalt  }
0x50: {  	_ =	shalt  }
0x51: {  	_ =	shalt  }
0x52: {  	_ =	shalt  }
0x53: {  	_ =	shalt  }
0x54: {  	_ =	shalt  }
0x55: {  	_ =	shalt  }
0x56: {  	_ =	shalt  }
0x57: {  	_ =	shalt  }
0x58: {  	_ =	shalt  }
0x59: {  	_ =	shalt  }
0x5a: {  	_ =	shalt  }
0x5b: {  	_ =	shalt  }
0x5c: {  	_ =	shalt  }
0x5d: {  	_ =	shalt  }
0x5e: {  	_ =	shalt  }
0x5f: {  	_ =	shalt  }
0x60: {  	_ =	shalt  }
0x61: {  	_ =	shalt  }
0x62: {  	_ =	shalt  }
0x63: {  	_ =	shalt  }
0x64: {  	_ =	shalt  }
0x65: {  	_ =	shalt  }
0x66: {  	_ =	shalt  }
0x67: {  	_ =	shalt  }
0x68: {  	_ =	shalt  }
0x69: {  	_ =	shalt  }
0x6a: {  	_ =	shalt  }
0x6b: {  	_ =	shalt  }
0x6c: {  	_ =	shalt  }
0x6d: {  	_ =	shalt  }
0x6e: {  	_ =	shalt  }
0x6f: {  	_ =	shalt  }
0x70: {  	_ =	shalt  }
0x71: {  	_ =	shalt  }
0x72: {  	_ =	shalt  }
0x73: {  	_ =	shalt  }
0x74: {  	_ =	shalt  }
0x75: {  	_ =	shalt  }
0x76: {  	_ =	shalt  }
0x77: {  	_ =	shalt  }
0x78: {  	_ =	shalt  }
0x79: {  	_ =	shalt  }
0x7a: {  	_ =	shalt  }
0x7b: {  	_ =	shalt  }
0x7c: {  	_ =	shalt  }
0x7d: {  	_ =	shalt  }
0x7e: {  	_ =	shalt  }
0x7f: {  	_ =	shalt  }
0x80: {  	_ =	shalt  }
0x81: {  	_ =	shalt  }
0x82: {  	_ =	shalt  }
0x83: {  	_ =	shalt  }
0x84: {  	_ =	shalt  }
0x85: {  	_ =	shalt  }
0x86: {  	_ =	shalt  }
0x87: {  	_ =	shalt  }
.Lfunc_end0:
.L_simem_size_0:
called_computation.2_lowered:
.L_overlay_start_0:
0x88: {  	s2 =	sld [smem:$0x3FD9]  }
0x89: {  	s3 =	sld [smem:$0x3FFE];
	_ =	sdelay $0x1  }
0x8a: {  	s1 =	srdreg.scid  }
0x8b: {  	s0 =	sand.u32 $0x1, s1  }
0x8c: {  	s17 =	sshll.u32 s0, $0xA;
	s2 =	sadd.s32 s3, s2  }
0x8d: {  	s2 =	sadd.s32 s2, s17  }
0x8e: {  	[smem:$0x3FC0] =	sst s2  }
0x8f: {  	_ = 	snop  }
0x90: {  	s2 =	sld [smem:$0x3FD0];
	(tm) =	ssettm $0x1  }
0x91: {  	s18 =	sld [smem:$0x3FFB];
	_ =	sdelay $0x3  }
0x92: {  	_ =	strace s18  }
0x93: {  	s3 =	sld [smem:$0x3FFC];
	_ =	sdelay $0x3  }
0x94: {  	_ =	strace s3  }
0x95: {  	s3 =	sld [smem:$0x3FFD];
	_ =	sdelay $0x3  }
0x96: {  	_ =	strace s3  }
0x97: {  	_ =	strace $0x8FFFFFFF  }
0x98: {  	s19 =	sld [smem:$0x3FDB];
	_ =	sdelay $0x1  }
0x99: {  	s4 =	simm.s32 $_scs_section_size  }
0x9a: {  	s5 =	simm.s32 $_size__tile_overlayer_lowered;
	s6 =	simm.s32 $_tile_overlayer_lowered  }
0x9b: {  	s22 =	simm.s32 $0x1BFF;
	s21 =	sshll.u32 s6, $0x1;
	s3 =	sadd.s32 s4, s19  }
0x9c: {  	s7 =	simm.s32 $0x0;
	s20 =	sshll.u32 s5, $0x1;
	s5 =	sadd.s32 s21, s3  }
0x9d: {  	[timem:s7], [sflag:s22] =	dma.local [hbm:s5], s20  }
0x9e: {  	_ =	swait.ge [sflag:s22], s20  }
0x9f: {  	s4 =	ssub.s32 $0x0, s20;
	[sflag:s22] =	ssyncset.done $0x0  }
0xa0: {  	[sflag:s22] =	ssyncadd.s32 s4;
	_ =	sdelay $0x1  }
0xa1: {  	s23 =	simm.s32 $0x1B8B  }
0xa2: {  	_ =	swait.ge [sflag:s23], $0x1  }
0xa3: {  	[sflag:s23] =	ssyncset.done $0x0  }
0xa4: {  	s25 =	simm.s32 $0x1B8E;
	s24 =	sld [smem:$0x3FFE];
	[sflag:s23] =	ssyncadd.s32 $0xFFFFFFFF  }
0xa5: {  	s26 =	simm.s32 $execute0_lowered;
	[smem:$0x3FD2] =	sst s25  }
0xa6: {  	s5 =	sshll.u32 s26, $0x1;
	_ =	strace $0x8000004C;
	[dreg:$0x1] =	wrdreg $0xFFFFFFFF  }
0xa7: {  	s28 =	simm.s32 $_size_execute0_lowered;
	s3 =	sadd.s32 s3, s5;
	[dreg:$0x0] =	wrdreg $0x0  }
0xa8: {  	s5 =	sshll.u32 s28, $0x1;
	[dreg:$0x2] =	wrdreg s3  }
0xa9: {  	[dreg:$0x3] =	wrdreg s5  }
0xaa: {  	[dreg:$0x4] =	wrdreg $0xC0  }
0xab: {  	_ =	task [dreg:s7], $0x5FFFF  }
0xac: {  	[dreg:$0x1] =	wrdreg $0xFFFFFFFF  }
0xad: {  	[dreg:$0x0] =	wrdreg $0x60  }
0xae: {  	[dreg:$0x2] =	wrdreg s24  }
0xaf: {  	[dreg:$0x3] =	wrdreg s2  }
0xb0: {  	[dreg:$0x4] =	wrdreg $0x52000  }
0xb1: {  	[dreg:$0x5] =	wrdreg $0x9  }
0xb2: {  	_ =	task.clear_ibuf [dreg:s7], $0x6FFFF;
	_ =	strace $0x9000004C  }
0xb3: {  	s29 =	simm.s32 $0x9;
	_ =	strace $0x8000004E  }
0xb4: {  	_ =	swait.ge [sflag:s29], $0x1  }
0xb5: {  	[sflag:s29] =	ssyncadd.s32 $0xFFFFFFFF  }
0xb6: {  	_ =	strace $0x9000004E  }
0xb7: {  	_ =	sfence  }
0xb8: {  	s30 =	sld [smem:$0x0];
	_ =	sdelay $0x2  }
0xb9: {  	s31 =	sshll.u32 s1, $0xD;
	s1 =	sshrl.u32 s1, $0x2  }
0xba: {  	s3 =	sand.u32 $0x4000, s31;
	s1 =	sadd.s32 s1, s30  }
0xbb: {  	s0 =	sor.u32 s3, s0;
	s1 =	sshll.u32 s1, $0x11  }
0xbc: {  	s0 =	sor.u32 s1, s0  }
0xbd: {  	s0 =	sadd.s32 $0x8F2B, s0  }
0xbe: {  	[sflag:s0] =	ssyncadd.remote.s32 $0x1  }
0xbf: {  	_ =	sfence.sel $0xFFFF  }
0xc0: {  	[dreg:$0x0] =	wrdreg $0xFFFFFFFF;
	(pc) =	sbr.abs _section_cstart, $3  }
0xc1: {  	[dreg:$0x1] =	wrdreg $0xFFFFFFFF  }
0xc2: {  	_ =	task.clear_ibuf [dreg:s7], $0x2FFFF;
	_ =	strace $0x9FFFFFFF  }
0xc3: {  	(tm) =	ssettm $0x7FFFFFFF  }
tec
execute0_lowered:
.L_overlay_start_1:
0x0: {  	(tag) =	ssettag $0x1  }
0x1: {  	s0 =	rddreg [dreg:$0x0]  }
0x2: {  	s1 =	rddreg [dreg:$0x1]  }
0x3: {  	s2 =	rddreg [dreg:$0x2]  }
0x4: {  	s4 =	simm.s32 $0x0;
	s3 =	srdreg.scid;
	s12 =	stileid.u32  }
0x5: {  	s28 =	simm.s32 $0x4200;
	s29 =	simm.s32 $0x3;
	s9 =	smul.u32 $0x28000, s12  }
0x6: {  	s30 =	simm.s32 $0x100;
	s31 =	simm.s32 $0x80;
	s14 =	smul.u32 $0xA000, s12  }
0x7: {  	[smem:$0x7FF] =	sst s4;
	s3 =	sand.u32 $0x1, s3;
	s18 =	smul.u32 $0x5200, s12  }
0x8: {  	s5 =	sshll.u32 s12, $0x1;
	_ =	strace $0x8000004D;
	s7 =	smul.u32 $0x14000, s3  }
0x9: {  	s8 =	ssub.s32 $0x2, s3;
	s6 =	sor.u32 s3, s5;
	s3 =	smul.u32 $0x2900, s3  }
0xa: {  	s5 =	sadd.s32 $0x66200, s0;
	s10 =	sshrl.u32 s8, $0x1;
	s11 =	smul.u32 $0x2900, s6  }
0xb: {  	s6 =	sadd.s32 $0xBE00, s0;
	s16 =	sshrl.u32 s14, $0x3;
	s0 =	sadd.s32 s7, s0  }
0xc: {  	s8 =	ssub.s32 s8, s10;
	s10 =	sshrl.u32 s9, $0x2;
	s3 =	sadd.s32 s3, s18  }
0xd: {  	s13 =	sshrl.u32 s11, $0x3;
	s7 =	sadd.s32 s10, s2;
	s8 =	smax.u32 s8, $0x1  }
0xe: {  	s0 =	sadd.s32 $0x7A200, s0;
	s11 =	sadd.s32 s6, s13;
	[dreg:$0x6] =	wrdreg s8  }
0xf: {  	s10 =	sadd.s32 s14, s2;
	s15 =	sadd.s32 s1, s13;
	[dreg:$0x4] =	wrdreg s11  }
0x10: {  	s9 =	sor.u32 $0x80, s3;
	s20 =	sadd.s32 $0x1000, s7;
	[dreg:$0x5] =	wrdreg s15  }
0x11: {  	s17 =	sadd.s32 $0x510, s13;
	s21 =	sadd.s32 $0x2000, s7;
	[dreg:$0x8] =	wrdreg s20  }
0x12: {  	s22 =	sadd.s32 $0x3000, s7;
	s23 =	sadd.s32 $0x4000, s7;
	[dreg:$0x9] =	wrdreg s21  }
0x13: {  	s24 =	sadd.s32 $0x5000, s7;
	s25 =	sadd.s32 $0x6000, s7;
	[dreg:$0xa] =	wrdreg s22  }
0x14: {  	s18 =	sadd.s32 $0x7000, s7;
	s26 =	sshrl.u32 s9, $0x3;
	[dreg:$0xb] =	wrdreg s23  }
0x15: {  	s8 =	simm.s32 $0x2200;
	s9 =	simm.s32 $0x1;
	[dreg:$0xc] =	wrdreg s24  }
0x16: {  	s19 =	sadd.s32 s6, s17;
	[dreg:$0xd] =	wrdreg s25;
	s20 =	sadd.s32 s1, s17  }
0x17: {  	s21 =	sadd.s32 $0x100, s3;
	s22 =	sadd.s32 s16, s0;
	s23 =	sadd.s32 s26, s1  }
0x18: {  	s24 =	sadd.s32 s26, s6;
	s25 =	sshrl.u32 s10, $0x3;
	s26 =	sadd.s32 $0x9000, s7  }
0x19: {  	s0 =	simm.s32 $0x200;
	s3 =	simm.s32 $0x180;
	s10 =	simm.s32 $0x2  }
0x1a: {  	v0 =	vimm.f32 $0.0e+00;
	s11 =	simm.s32 $0x0;
	[dreg:$0x7] =	wrdreg s19;
	s19 =	sadd.s32 $0x8000, s7  }
.LBB2_1:
0x1b: {  	s13 =	simm.s32 $0x100;
	s12 =	simm.s32 $0x0  }
.LBB2_2:
0x1c: {  	p0 =	sne.s32 s13, $0x3F00;
	[tilespmem:s12+$0x4230] =	vst v0;
	s14 =	smov.u32 s13;
	s13 =	sadd.s32 $0x100, s13  }
.Ltmp0:
0x1d: {  	[tilespmem:s12+$0x4220] =	vst v0;
	(pc) =	sbr.rel @p0 .LBB2_2-.Ltmp0, $3  }
0x1e: {  	[tilespmem:s12+$0x4200] =	vst v0  }
0x1f: {  	[tilespmem:s12+$0x4210] =	vst v0;
	_ =	sdelay $0x1  }
0x20: {  	s12 =	sshra.s32 s14, $0x2  }
0x21: {  	[tilespmem:s12+$0x4230] =	vst v0  }
0x22: {  	[tilespmem:s12+$0x4220] =	vst v0  }
0x23: {  	[tilespmem:s12+$0x4200] =	vst v0  }
0x24: {  	[tilespmem:s12+$0x4210] =	vst v0  }
0x25: {  	[spmem:s7] =	stream.linear.scatter [tilespmem:s28], [sflag:$0x3], $0x1000, $0x38;
	[tilespmem:$0xF200] =	vst v63  }
0x26: {  	_ =	swait.ge [sflag:s29], $0x1000  }
0x27: {  	[sflag:s29] =	ssyncset.done $0x0  }
0x28: {  	s15 =	rddreg [dreg:$0x8];
	[sflag:s29] =	ssyncadd.s32 $0xFFFFF000  }
0x29: {  	[spmem:s15] =	stream.linear.scatter [tilespmem:s28], [sflag:$0x3], $0x1000, $0x38;
	[tilespmem:$0xF200] =	vst v63  }
0x2a: {  	_ =	swait.ge [sflag:s29], $0x1000  }
0x2b: {  	[sflag:s29] =	ssyncset.done $0x0  }
0x2c: {  	s16 =	rddreg [dreg:$0x9];
	[sflag:s29] =	ssyncadd.s32 $0xFFFFF000  }
0x2d: {  	[spmem:s16] =	stream.linear.scatter [tilespmem:s28], [sflag:$0x3], $0x1000, $0x38;
	[tilespmem:$0xF200] =	vst v63  }
0x2e: {  	_ =	swait.ge [sflag:s29], $0x1000  }
0x2f: {  	[sflag:s29] =	ssyncset.done $0x0  }
0x30: {  	s17 =	rddreg [dreg:$0xa];
	[sflag:s29] =	ssyncadd.s32 $0xFFFFF000  }
0x31: {  	[spmem:s17] =	stream.linear.scatter [tilespmem:s28], [sflag:$0x3], $0x1000, $0x38;
	[tilespmem:$0xF200] =	vst v63  }
0x32: {  	_ =	swait.ge [sflag:s29], $0x1000  }
0x33: {  	[sflag:s29] =	ssyncset.done $0x0  }
0x34: {  	s13 =	rddreg [dreg:$0xb];
	[sflag:s29] =	ssyncadd.s32 $0xFFFFF000  }
0x35: {  	[spmem:s13] =	stream.linear.scatter [tilespmem:s28], [sflag:$0x3], $0x1000, $0x38;
	[tilespmem:$0xF200] =	vst v63  }
0x36: {  	_ =	swait.ge [sflag:s29], $0x1000  }
0x37: {  	[sflag:s29] =	ssyncset.done $0x0  }
0x38: {  	s14 =	rddreg [dreg:$0xc];
	[sflag:s29] =	ssyncadd.s32 $0xFFFFF000  }
0x39: {  	[spmem:s14] =	stream.linear.scatter [tilespmem:s28], [sflag:$0x3], $0x1000, $0x38;
	[tilespmem:$0xF200] =	vst v63  }
0x3a: {  	_ =	swait.ge [sflag:s29], $0x1000  }
0x3b: {  	[sflag:s29] =	ssyncset.done $0x0  }
0x3c: {  	s15 =	rddreg [dreg:$0xd];
	[sflag:s29] =	ssyncadd.s32 $0xFFFFF000  }
0x3d: {  	[spmem:s15] =	stream.linear.scatter [tilespmem:s28], [sflag:$0x3], $0x1000, $0x38;
	[tilespmem:$0xF200] =	vst v63  }
0x3e: {  	_ =	swait.ge [sflag:s29], $0x1000  }
0x3f: {  	[sflag:s29] =	ssyncset.done $0x0  }
0x40: {  	[sflag:s29] =	ssyncadd.s32 $0xFFFFF000  }
0x41: {  	[spmem:s18] =	stream.linear.scatter [tilespmem:s28], [sflag:$0x3], $0x1000, $0x38;
	[tilespmem:$0xF200] =	vst v63  }
0x42: {  	_ =	swait.ge [sflag:s29], $0x1000  }
0x43: {  	[sflag:s29] =	ssyncset.done $0x0  }
0x44: {  	[sflag:s29] =	ssyncadd.s32 $0xFFFFF000  }
0x45: {  	[spmem:s19] =	stream.linear.scatter [tilespmem:s28], [sflag:$0x3], $0x1000, $0x38;
	[tilespmem:$0xF200] =	vst v63  }
0x46: {  	_ =	swait.ge [sflag:s29], $0x1000  }
0x47: {  	[sflag:s29] =	ssyncset.done $0x0  }
0x48: {  	[sflag:s29] =	ssyncadd.s32 $0xFFFFF000  }
0x49: {  	[spmem:s26] =	stream.linear.scatter [tilespmem:s28], [sflag:$0x3], $0x1000, $0x38;
	[tilespmem:$0xF200] =	vst v63  }
0x4a: {  	_ =	swait.ge [sflag:s29], $0x1000  }
0x4b: {  	[sflag:s29] =	ssyncset.done $0x0  }
0x4c: {  	[sflag:s29] =	ssyncadd.s32 $0xFFFFF000  }
0x4d: {  	[bflag:$0x0] =	sbarrier.arrive $0xFFFF  }
0x4e: {  	s16 =	simm.s32 $0x0;
	s13 =	rddreg [dreg:$0x4]  }
0x4f: {  	[tilespmem:s16], [sflag:$0x3] =	stream.linear.gather [hbm4b:s13+s16], $0x80, $0x38;
	[tilespmem:$0xF200] =	vst v63  }
0x50: {  	_ =	swait.ge [sflag:s29], $0x80  }
0x51: {  	[sflag:s29] =	ssyncset.done $0x0  }
0x52: {  	s17 =	rddreg [dreg:$0x5];
	[sflag:s29] =	ssyncadd.s32 $0xFFFFFF80  }
0x53: {  	[tilespmem:s30], [sflag:$0x3] =	stream.linear.gather [hbm4b:s17+s16], $0x80, $0x38;
	[tilespmem:$0xF200] =	vst v63  }
0x54: {  	_ =	swait.ge [sflag:s29], $0x80  }
0x55: {  	[sflag:s29] =	ssyncset.done $0x0  }
0x56: {  	[sflag:s29] =	ssyncadd.s32 $0xFFFFFF80  }
0x57: {  	[tilespmem:s0], [sflag:$0x1] =	stream.indirect.gather [hbm4b:s5+s31], $0x40, s16, s31, $0xb8;
	[tilespmem:$0xF200] =	vst v63  }
0x58: {  	s14 =	sadd.s32 $0x0, s24  }
0x59: {  	[tilespmem:s31], [sflag:$0x3] =	stream.linear.gather [hbm4b:s14+s4], $0x80, $0x38;
	[tilespmem:$0xF200] =	vst v63  }
0x5a: {  	_ =	swait.ge [sflag:s29], $0x80  }
0x5b: {  	[sflag:s29] =	ssyncset.done $0x0  }
0x5c: {  	s15 =	sadd.s32 $0x0, s23;
	[sflag:s29] =	ssyncadd.s32 $0xFFFFFF80  }
0x5d: {  	[tilespmem:s3], [sflag:$0x3] =	stream.linear.gather [hbm4b:s15+s4], $0x80, $0x38;
	[tilespmem:$0xF200] =	vst v63  }
0x5e: {  	_ =	swait.ge [sflag:s29], $0x80  }
0x5f: {  	[sflag:s29] =	ssyncset.done $0x0  }
0x60: {  	[sflag:s29] =	ssyncadd.s32 $0xFFFFFF80  }
0x61: {  	[tilespmem:s8], [sflag:$0x2] =	stream.indirect.gather [hbm4b:s5+s31], $0x40, s31, s31, $0xb8;
	[tilespmem:$0xF200] =	vst v63  }
0x62: {  	_ =	swait.ge [sflag:s9], $0x2000  }
0x63: {  	[sflag:s9] =	ssyncset.done $0x0  }
0x64: {  	[sflag:s9] =	ssyncadd.s32 $0xFFFFE000  }
0x65: {  	[spmem:s2] =	stream.indirect.scatter.add.f32 [tilespmem:s0], [sflag:$0x3], $0x40, s30, s31, $0xb8;
	[tilespmem:$0xF200] =	vst v63  }
0x66: {  	_ =	swait.ge [sflag:s29], $0x2000  }
0x67: {  	s16 =	sshrl.u32 s21, $0x3;
	[sflag:s29] =	ssyncset.done $0x0  }
0x68: {  	s17 =	sadd.s32 s6, s16;
	[sflag:s29] =	ssyncadd.s32 $0xFFFFE000  }
0x69: {  	[tilespmem:s4], [sflag:$0x3] =	stream.linear.gather [hbm4b:s17+s4], $0x80, $0x38;
	[tilespmem:$0xF200] =	vst v63  }
0x6a: {  	_ =	swait.ge [sflag:s29], $0x80  }
0x6b: {  	[sflag:s29] =	ssyncset.done $0x0  }
0x6c: {  	s12 =	sadd.s32 s1, s16;
	[sflag:s29] =	ssyncadd.s32 $0xFFFFFF80  }
0x6d: {  	[tilespmem:s30], [sflag:$0x3] =	stream.linear.gather [hbm4b:s12+s4], $0x80, $0x38;
	[tilespmem:$0xF200] =	vst v63  }
0x6e: {  	_ =	swait.ge [sflag:s29], $0x80  }
0x6f: {  	[sflag:s29] =	ssyncset.done $0x0  }
0x70: {  	[sflag:s29] =	ssyncadd.s32 $0xFFFFFF80  }
0x71: {  	[tilespmem:s0], [sflag:$0x1] =	stream.indirect.gather [hbm4b:s5+s31], $0x40, s4, s31, $0xb8;
	[tilespmem:$0xF200] =	vst v63  }
0x72: {  	_ =	swait.ge [sflag:s10], $0x2000  }
0x73: {  	[sflag:s10] =	ssyncset.done $0x0  }
0x74: {  	[sflag:s10] =	ssyncadd.s32 $0xFFFFE000  }
0x75: {  	[spmem:s2] =	stream.indirect.scatter.add.f32 [tilespmem:s8], [sflag:$0x3], $0x40, s3, s31, $0xb8;
	[tilespmem:$0xF200] =	vst v63  }
0x76: {  	s13 =	simm.s32 $0x20;
	_ =	swait.ge [sflag:s29], $0x2000  }
0x77: {  	s14 =	simm.s32 $0x40;
	s12 =	sadd.s32 $0x100, s21;
	[sflag:s29] =	ssyncset.done $0x0  }
.LBB2_4:
0x78: {  	s16 =	sadd.s32 s13, s24  }
0x79: {  	[sflag:s29] =	ssyncadd.s32 $0xFFFFE000;
	s17 =	smov.u32 s14;
	s15 =	sadd.s32 $0x20, s14  }
0x7a: {  	[tilespmem:s31], [sflag:$0x3] =	stream.linear.gather [hbm4b:s16+s4], $0x80, $0x38;
	[tilespmem:$0xF200] =	vst v63  }
0x7b: {  	p0 =	sne.s32 s14, $0x4E0;
	_ =	swait.ge [sflag:s29], $0x80  }
0x7c: {  	[sflag:s29] =	ssyncset.done $0x0  }
0x7d: {  	s14 =	sadd.s32 s13, s23;
	s13 =	smov.u32 s17;
	[sflag:s29] =	ssyncadd.s32 $0xFFFFFF80  }
0x7e: {  	[tilespmem:s3], [sflag:$0x3] =	stream.linear.gather [hbm4b:s14+s4], $0x80, $0x38;
	[tilespmem:$0xF200] =	vst v63  }
0x7f: {  	_ =	swait.ge [sflag:s29], $0x80  }
0x80: {  	[sflag:s29] =	ssyncset.done $0x0  }
0x81: {  	[sflag:s29] =	ssyncadd.s32 $0xFFFFFF80  }
0x82: {  	[tilespmem:s8], [sflag:$0x2] =	stream.indirect.gather [hbm4b:s5+s31], $0x40, s31, s31, $0xb8;
	[tilespmem:$0xF200] =	vst v63  }
0x83: {  	_ =	swait.ge [sflag:s9], $0x2000  }
0x84: {  	[sflag:s9] =	ssyncset.done $0x0  }
0x85: {  	[sflag:s9] =	ssyncadd.s32 $0xFFFFE000  }
0x86: {  	[spmem:s2] =	stream.indirect.scatter.add.f32 [tilespmem:s0], [sflag:$0x3], $0x40, s30, s31, $0xb8;
	[tilespmem:$0xF200] =	vst v63  }
0x87: {  	_ =	swait.ge [sflag:s29], $0x2000  }
0x88: {  	s14 =	sshrl.u32 s12, $0x3;
	[sflag:s29] =	ssyncset.done $0x0  }
0x89: {  	s16 =	sadd.s32 s6, s14;
	[sflag:s29] =	ssyncadd.s32 $0xFFFFE000  }
0x8a: {  	[tilespmem:s4], [sflag:$0x3] =	stream.linear.gather [hbm4b:s16+s4], $0x80, $0x38;
	[tilespmem:$0xF200] =	vst v63  }
0x8b: {  	_ =	swait.ge [sflag:s29], $0x80  }
0x8c: {  	[sflag:s29] =	ssyncset.done $0x0  }
0x8d: {  	s14 =	sadd.s32 s1, s14;
	[sflag:s29] =	ssyncadd.s32 $0xFFFFFF80  }
0x8e: {  	[tilespmem:s30], [sflag:$0x3] =	stream.linear.gather [hbm4b:s14+s4], $0x80, $0x38;
	[tilespmem:$0xF200] =	vst v63  }
0x8f: {  	_ =	swait.ge [sflag:s29], $0x80  }
0x90: {  	[sflag:s29] =	ssyncset.done $0x0  }
0x91: {  	[sflag:s29] =	ssyncadd.s32 $0xFFFFFF80  }
0x92: {  	[tilespmem:s0], [sflag:$0x1] =	stream.indirect.gather [hbm4b:s5+s31], $0x40, s4, s31, $0xb8;
	[tilespmem:$0xF200] =	vst v63  }
0x93: {  	_ =	swait.ge [sflag:s10], $0x2000  }
.Ltmp1:
0x94: {  	[sflag:s10] =	ssyncset.done $0x0;
	(pc) =	sbr.rel @p0 .LBB2_4-.Ltmp1, $4  }
0x95: {  	[sflag:s10] =	ssyncadd.s32 $0xFFFFE000  }
0x96: {  	[spmem:s2] =	stream.indirect.scatter.add.f32 [tilespmem:s8], [sflag:$0x3], $0x40, s3, s31, $0xb8;
	[tilespmem:$0xF200] =	vst v63  }
0x97: {  	_ =	swait.ge [sflag:s29], $0x2000  }
0x98: {  	s12 =	sadd.s32 $0x100, s12;
	s14 =	smov.u32 s15;
	[sflag:s29] =	ssyncset.done $0x0  }
0x99: {  	s14 =	sadd.s32 s13, s24;
	[sflag:s29] =	ssyncadd.s32 $0xFFFFE000  }
0x9a: {  	[tilespmem:s31], [sflag:$0x3] =	stream.linear.gather [hbm4b:s14+s4], $0x80, $0x38;
	[tilespmem:$0xF200] =	vst v63  }
0x9b: {  	_ =	swait.ge [sflag:s29], $0x80  }
0x9c: {  	[sflag:s29] =	ssyncset.done $0x0  }
0x9d: {  	s17 =	sadd.s32 s13, s23;
	[sflag:s29] =	ssyncadd.s32 $0xFFFFFF80  }
0x9e: {  	[tilespmem:s3], [sflag:$0x3] =	stream.linear.gather [hbm4b:s17+s4], $0x80, $0x38;
	[tilespmem:$0xF200] =	vst v63  }
0x9f: {  	_ =	swait.ge [sflag:s29], $0x80  }
0xa0: {  	[sflag:s29] =	ssyncset.done $0x0  }
0xa1: {  	[sflag:s29] =	ssyncadd.s32 $0xFFFFFF80  }
0xa2: {  	[tilespmem:s8], [sflag:$0x2] =	stream.indirect.gather [hbm4b:s5+s31], $0x40, s31, s31, $0xb8;
	[tilespmem:$0xF200] =	vst v63  }
0xa3: {  	_ =	swait.ge [sflag:s9], $0x2000  }
0xa4: {  	[sflag:s9] =	ssyncset.done $0x0  }
0xa5: {  	[sflag:s9] =	ssyncadd.s32 $0xFFFFE000  }
0xa6: {  	[spmem:s2] =	stream.indirect.scatter.add.f32 [tilespmem:s0], [sflag:$0x3], $0x40, s30, s31, $0xb8;
	[tilespmem:$0xF200] =	vst v63  }
0xa7: {  	_ =	swait.ge [sflag:s29], $0x2000  }
0xa8: {  	s12 =	sshrl.u32 s12, $0x3;
	[sflag:s29] =	ssyncset.done $0x0  }
0xa9: {  	s14 =	sadd.s32 s6, s12;
	[sflag:s29] =	ssyncadd.s32 $0xFFFFE000  }
0xaa: {  	[tilespmem:s4], [sflag:$0x3] =	stream.linear.gather [hbm4b:s14+s4], $0x80, $0x38;
	[tilespmem:$0xF200] =	vst v63  }
0xab: {  	_ =	swait.ge [sflag:s29], $0x80  }
0xac: {  	[sflag:s29] =	ssyncset.done $0x0  }
0xad: {  	s12 =	sadd.s32 s1, s12;
	[sflag:s29] =	ssyncadd.s32 $0xFFFFFF80  }
0xae: {  	[tilespmem:s30], [sflag:$0x3] =	stream.linear.gather [hbm4b:s12+s4], $0x80, $0x38;
	[tilespmem:$0xF200] =	vst v63  }
0xaf: {  	_ =	swait.ge [sflag:s29], $0x80  }
0xb0: {  	[sflag:s29] =	ssyncset.done $0x0  }
0xb1: {  	[sflag:s29] =	ssyncadd.s32 $0xFFFFFF80  }
0xb2: {  	[tilespmem:s0], [sflag:$0x1] =	stream.indirect.gather [hbm4b:s5+s31], $0x40, s4, s31, $0xb8;
	[tilespmem:$0xF200] =	vst v63  }
0xb3: {  	_ =	swait.ge [sflag:s10], $0x2000  }
0xb4: {  	[sflag:s10] =	ssyncset.done $0x0  }
0xb5: {  	[sflag:s10] =	ssyncadd.s32 $0xFFFFE000  }
0xb6: {  	[spmem:s2] =	stream.indirect.scatter.add.f32 [tilespmem:s8], [sflag:$0x3], $0x40, s3, s31, $0xb8;
	[tilespmem:$0xF200] =	vst v63  }
0xb7: {  	_ =	swait.ge [sflag:s29], $0x2000  }
0xb8: {  	[sflag:s29] =	ssyncset.done $0x0  }
0xb9: {  	s15 =	rddreg [dreg:$0x7];
	[sflag:s29] =	ssyncadd.s32 $0xFFFFE000  }
0xba: {  	[tilespmem:s31], [sflag:$0x3] =	stream.linear.gather [hbm4b:s15+s4], $0x80, $0x38;
	[tilespmem:$0xF200] =	vst v63  }
0xbb: {  	_ =	swait.ge [sflag:s29], $0x80  }
0xbc: {  	[sflag:s29] =	ssyncset.done $0x0  }
0xbd: {  	[sflag:s29] =	ssyncadd.s32 $0xFFFFFF80  }
0xbe: {  	[tilespmem:s3], [sflag:$0x3] =	stream.linear.gather [hbm4b:s20+s4], $0x80, $0x38;
	[tilespmem:$0xF200] =	vst v63  }
0xbf: {  	_ =	swait.ge [sflag:s29], $0x80  }
0xc0: {  	[sflag:s29] =	ssyncset.done $0x0  }
0xc1: {  	[sflag:s29] =	ssyncadd.s32 $0xFFFFFF80  }
0xc2: {  	[tilespmem:s8], [sflag:$0x2] =	stream.indirect.gather [hbm4b:s5+s31], $0x40, s31, s31, $0xb8;
	[tilespmem:$0xF200] =	vst v63  }
0xc3: {  	_ =	swait.ge [sflag:s9], $0x2000  }
0xc4: {  	[sflag:s9] =	ssyncset.done $0x0  }
0xc5: {  	[sflag:s9] =	ssyncadd.s32 $0xFFFFE000  }
0xc6: {  	[spmem:s2] =	stream.indirect.scatter.add.f32 [tilespmem:s0], [sflag:$0x3], $0x40, s30, s31, $0xb8;
	[tilespmem:$0xF200] =	vst v63  }
0xc7: {  	_ =	swait.ge [sflag:s29], $0x2000  }
0xc8: {  	[sflag:s29] =	ssyncset.done $0x0  }
0xc9: {  	[sflag:s29] =	ssyncadd.s32 $0xFFFFE000  }
0xca: {  	_ =	swait.ge [sflag:s10], $0x2000  }
0xcb: {  	[sflag:s10] =	ssyncset.done $0x0  }
0xcc: {  	[sflag:s10] =	ssyncadd.s32 $0xFFFFE000  }
0xcd: {  	[spmem:s2] =	stream.indirect.scatter.add.f32 [tilespmem:s8], [sflag:$0x3], $0x40, s3, s31, $0xb8;
	[tilespmem:$0xF200] =	vst v63  }
0xce: {  	_ =	swait.ge [sflag:s29], $0x2000  }
0xcf: {  	s16 =	stileid.u32;
	[sflag:s29] =	ssyncset.done $0x0  }
0xd0: {  	s12 =	sshll.u32 s16, $0x6;
	[sflag:s29] =	ssyncadd.s32 $0xFFFFE000  }
0xd1: {  	s12 =	sor.u32 $0x1C03, s12;
	[bflag:$0x0] =	sbarrier.arrive $0xFFFF  }
0xd2: {  	[hbm:s22], [sflag:s12] =	dma.local [spmem:s25], $0x1400  }
0xd3: {  	_ =	swait.ge [sflag:s29], $0x1400  }
0xd4: {  	s11 =	sadd.s32 $0x1, s11;
	s17 =	rddreg [dreg:$0x6]  }
0xd5: {  	p0 =	sne.s32 s11, s17  }
.Ltmp2:
0xd6: {  	_ = 	snop;
	(pc) =	sbr.rel @p0 .LBB2_1-.Ltmp2, $3  }
0xd7: {  	_ =	sdelay $0x1  }
0xd8: {  	[sflag:s29] =	ssyncset.done $0x0  }
0xd9: {  	[sflag:s29] =	ssyncadd.s32 $0xFFFFEC00  }
0xda: {  	_ =	sfence.sel $0x180000  }
0xdb: {  	[bflag:$0x0] =	sbarrier.arrive $0xFFFF  }
0xdc: {  	_ =	strace $0x9000004D  }
0xdd: {  	s0 =	stileid.u32;
	[bflag:$0x2] =	sbarrier.arrive $0xFFFF  }
0xde: {  	p0 =	sne.s32 s0, $0x0;
	s0 =	rddreg [dreg:$0x3]  }
0xdf: {  	s0 =	sadd.s32 @!p0 $0x100000, s0  }
0xe0: {  	[sflag:s0] =	ssyncadd.tile.s32 @!p0 $0x1;
	_ =	shalt  }
.Lfunc_end2:
_tile_overlayer_lowered:
.L_overlay_start_2:
0xe1: {  	(tag) =	ssettag $0x2  }
0xe2: {  	s0 =	rddreg [dreg:$0x0];
	s2 =	stileid.u32  }
0xe3: {  	s1 =	rddreg [dreg:$0x1];
	p0 =	sne.s32 s2, $0x0  }
0xe4: {  	s3 =	rddreg [dreg:$0x2];
	[bflag:$0x3] =	sbarrier.arrive $0xFFFF;
	s2 =	simm.s32 @!p0 $0x1C03  }
0xe5: {  	[timem:s3], [sflag:s2] =	dma.local @!p0 [hbm:s0], s1  }
0xe6: {  	s0 =	simm.s32 @!p0 $0x3  }
0xe7: {  	_ =	swait.ge @!p0 [sflag:s0], s1  }
0xe8: {  	s1 =	ssub.s32 @!p0 $0x0, s1;
	[sflag:s0] =	ssyncset.done @!p0 $0x0  }
0xe9: {  	[sflag:s0] =	ssyncadd.s32 @!p0 s1  }
0xea: {  	[bflag:$0x3] =	sbarrier.arrive $0xFFFF  }
0xeb: {  	_ =	shalt  }

// kernel: kernel.9.cloned.1.call-start
scs
__scs_entry_jumppad:
0x0: {  	(pc) =	sbr.rel $0x88, $3  }
0x1: {  	(tag) =	ssettag $0x0;
	lr =	simm.s32 $0x1  }
0x2: {  	[smem:$0x3F99] =	sst lr;
	_ =	strace $0xD0000000  }
0x3: {  	_ = 	snop  }
0x4: {  	_ = 	snop  }
0x5: {  	_ = 	snop  }
0x6: {  	_ = 	snop  }
0x7: {  	_ = 	snop  }
__scs_overlays_trampoline_lowered:
0x8: {  	[smem:$0x3FA8] =	sst s0  }
0x9: {  	[smem:$0x3FA9] =	sst s1  }
0xa: {  	[smem:$0x3FAA] =	sst s2  }
0xb: {  	[smem:$0x3FAB] =	sst s3  }
0xc: {  	[smem:$0x3FAC] =	sst s4  }
0xd: {  	[smem:$0x3FAD] =	sst s5  }
0xe: {  	[smem:$0x3FAE] =	sst s6  }
0xf: {  	[smem:$0x3FAF] =	sst s7  }
0x10: {  	[smem:$0x3FB0] =	sst s8  }
0x11: {  	[smem:$0x3FB1] =	sst s9;
	s0 =	simm.s32 @!p0 $0x0  }
0x12: {  	s1 =	sld [smem:$0x3F97];
	s0 =	simm.s32 @p0 $0x1  }
0x13: {  	[smem:$0x3FB2] =	sst s0;
	s0 =	simm.s32 @!p1 $0x0  }
0x14: {  	s2 =	sld [smem:$0x3F96];
	s0 =	simm.s32 @p1 $0x1  }
0x15: {  	[smem:$0x3FB3] =	sst s0;
	s0 =	simm.s32 @!p2 $0x0  }
0x16: {  	s3 =	sld [smem:$0x3FDB];
	s0 =	simm.s32 @p2 $0x1  }
0x17: {  	s4 =	simm.s32 $0x1BF5;
	[smem:$0x3FB5] =	sst s0  }
0x18: {  	s0 =	sld [smem:$0x3F98];
	_ =	swait.ge [sflag:s4], $0x0  }
0x19: {  	s7 =	sld [smem:$0x3F99]  }
0x1a: {  	s8 =	sadd.s32 $0xFFFFE003, lr  }
0x1b: {  	s9 =	sadd.s32 $0xFFFFFEF7, lr;
	s5 =	simm.s32 $0xFFFFFFFF;
	p2 =	slt.u32 s8, $0xFFFFF086  }
0x1c: {  	p1 =	slt.u32 s9, $0xF7A;
	s5 =	simm.s32 @!p2 $0x0  }
0x1d: {  	s5 =	simm.s32 @p1 $0x1;
	p0 =	seq.s32 s7, s2  }
0x1e: {  	s7 =	smul.u32 @!p0 $0xF7A, s2;
	p2 =	seq.s32 @!p0 s5, $0x0  }
0x1f: {  	s9 =	smul.u32 $0xF7A, s1;
	s8 =	simm.s32 @!p0 $0x1BF5;
	p2 =	por !p2, p0  }
0x20: {  	[sflag:s8] =	ssyncset.s32 @!p0 $0xFFFFF086;
	s6 =	sadd.s32 @!p0 s3, s7;
	s7 =	simm.s32 @!p0 $0x108  }
0x21: {  	s3 =	sadd.s32 s3, s9;
	s6 =	sadd.s32 @!p0 $0x88, s6;
	s7 =	simm.s32 @p2 $0x1082  }
0x22: {  	[simem:s7], [sflag:s8] =	dma.local @!p0 [hbm:s6], $0xF7A  }
0x23: {  	s9 =	sor.u32 $0xD0000000, s2;
	s6 =	simm.s32 $0x108;
	_ =	swait.ge @!p0 [sflag:s8], $0x0  }
0x24: {  	s3 =	sadd.s32 $0x88, s3;
	s6 =	simm.s32 @!p1 $0x1082;
	[sflag:s4] =	ssyncset.s32 $0xFFFFF086  }
0x25: {  	[simem:s6], [sflag:s4] =	dma.local [hbm:s3], $0xF7A  }
0x26: {  	[smem:$0x3F99] =	sst s1;
	(tag) =	ssettag s2;
	_ =	strace s9  }
0x27: {  	s1 =	sld [smem:$0x3FA9]  }
0x28: {  	s2 =	sld [smem:$0x3FAA]  }
0x29: {  	s4 =	sld [smem:$0x3FAC]  }
0x2a: {  	p0 =	seq.s32 s5, $0x0;
	s5 =	sld [smem:$0x3FAD]  }
0x2b: {  	s6 =	sld [smem:$0x3FAE]  }
0x2c: {  	s7 =	sld [smem:$0x3FAF]  }
0x2d: {  	s3 =	simm.s32 $0x108;
	s8 =	sld [smem:$0x3FB0]  }
0x2e: {  	s3 =	simm.s32 @!p0 $0x1082;
	s9 =	sld [smem:$0x3FB1]  }
0x2f: {  	lr =	sadd.s32 s0, s3;
	s0 =	sld [smem:$0x3FA8]  }
0x30: {  	s3 =	sld [smem:$0x3FAB]  }
0x31: {  	[smem:$0x3FB4] =	sst s10  }
0x32: {  	s10 =	sld [smem:$0x3FB2];
	_ =	sdelay $0x3  }
0x33: {  	p0 =	seq.s32 s10, $0x1;
	s10 =	sld [smem:$0x3FB4];
	_ =	sdelay $0x3  }
0x34: {  	[smem:$0x3FB4] =	sst s10  }
0x35: {  	s10 =	sld [smem:$0x3FB3];
	_ =	sdelay $0x3  }
0x36: {  	p1 =	seq.s32 s10, $0x1;
	s10 =	sld [smem:$0x3FB4];
	_ =	sdelay $0x3  }
0x37: {  	[smem:$0x3FB4] =	sst s10  }
0x38: {  	s10 =	sld [smem:$0x3FB5]  }
0x39: {  	_ = 	snop;
	(pc) =	sbr.ind lr, $3  }
0x3a: {  	_ = 	snop  }
0x3b: {  	_ = 	snop  }
0x3c: {  	p2 =	seq.s32 s10, $0x1;
	s10 =	sld [smem:$0x3FB4]  }
0x3d: {  	_ =	shalt  }
0x3e: {  	_ =	shalt  }
0x3f: {  	_ =	shalt  }
0x40: {  	_ =	shalt  }
0x41: {  	_ =	shalt  }
0x42: {  	_ =	shalt  }
0x43: {  	_ =	shalt  }
0x44: {  	_ =	shalt  }
0x45: {  	_ =	shalt  }
0x46: {  	_ =	shalt  }
0x47: {  	_ =	shalt  }
0x48: {  	_ =	shalt  }
0x49: {  	_ =	shalt  }
0x4a: {  	_ =	shalt  }
0x4b: {  	_ =	shalt  }
0x4c: {  	_ =	shalt  }
0x4d: {  	_ =	shalt  }
0x4e: {  	_ =	shalt  }
0x4f: {  	_ =	shalt  }
0x50: {  	_ =	shalt  }
0x51: {  	_ =	shalt  }
0x52: {  	_ =	shalt  }
0x53: {  	_ =	shalt  }
0x54: {  	_ =	shalt  }
0x55: {  	_ =	shalt  }
0x56: {  	_ =	shalt  }
0x57: {  	_ =	shalt  }
0x58: {  	_ =	shalt  }
0x59: {  	_ =	shalt  }
0x5a: {  	_ =	shalt  }
0x5b: {  	_ =	shalt  }
0x5c: {  	_ =	shalt  }
0x5d: {  	_ =	shalt  }
0x5e: {  	_ =	shalt  }
0x5f: {  	_ =	shalt  }
0x60: {  	_ =	shalt  }
0x61: {  	_ =	shalt  }
0x62: {  	_ =	shalt  }
0x63: {  	_ =	shalt  }
0x64: {  	_ =	shalt  }
0x65: {  	_ =	shalt  }
0x66: {  	_ =	shalt  }
0x67: {  	_ =	shalt  }
0x68: {  	_ =	shalt  }
0x69: {  	_ =	shalt  }
0x6a: {  	_ =	shalt  }
0x6b: {  	_ =	shalt  }
0x6c: {  	_ =	shalt  }
0x6d: {  	_ =	shalt  }
0x6e: {  	_ =	shalt  }
0x6f: {  	_ =	shalt  }
0x70: {  	_ =	shalt  }
0x71: {  	_ =	shalt  }
0x72: {  	_ =	shalt  }
0x73: {  	_ =	shalt  }
0x74: {  	_ =	shalt  }
0x75: {  	_ =	shalt  }
0x76: {  	_ =	shalt  }
0x77: {  	_ =	shalt  }
0x78: {  	_ =	shalt  }
0x79: {  	_ =	shalt  }
0x7a: {  	_ =	shalt  }
0x7b: {  	_ =	shalt  }
0x7c: {  	_ =	shalt  }
0x7d: {  	_ =	shalt  }
0x7e: {  	_ =	shalt  }
0x7f: {  	_ =	shalt  }
0x80: {  	_ =	shalt  }
0x81: {  	_ =	shalt  }
0x82: {  	_ =	shalt  }
0x83: {  	_ =	shalt  }
0x84: {  	_ =	shalt  }
0x85: {  	_ =	shalt  }
0x86: {  	_ =	shalt  }
0x87: {  	_ =	shalt  }
.Lfunc_end0:
.L_simem_size_0:
called_computation_lowered:
.L_overlay_start_0:
0x88: {  	s2 =	sld [smem:$0x3FD9]  }
0x89: {  	s3 =	sld [smem:$0x3FFE];
	_ =	sdelay $0x1  }
0x8a: {  	s1 =	srdreg.scid  }
0x8b: {  	s0 =	sand.u32 $0x1, s1  }
0x8c: {  	s17 =	sshll.u32 s0, $0xA;
	s2 =	sadd.s32 s3, s2  }
0x8d: {  	s2 =	sadd.s32 s2, s17  }
0x8e: {  	[smem:$0x3FC0] =	sst s2  }
0x8f: {  	_ = 	snop  }
0x90: {  	s2 =	sld [smem:$0x3FD0];
	(tm) =	ssettm $0x1  }
0x91: {  	s18 =	sld [smem:$0x3FFB];
	_ =	sdelay $0x3  }
0x92: {  	_ =	strace s18  }
0x93: {  	s3 =	sld [smem:$0x3FFC];
	_ =	sdelay $0x3  }
0x94: {  	_ =	strace s3  }
0x95: {  	s3 =	sld [smem:$0x3FFD];
	_ =	sdelay $0x3  }
0x96: {  	_ =	strace s3  }
0x97: {  	_ =	strace $0x8FFFFFFF  }
0x98: {  	s19 =	sld [smem:$0x3FDB];
	_ =	sdelay $0x1  }
0x99: {  	s4 =	simm.s32 $_scs_section_size  }
0x9a: {  	s5 =	simm.s32 $_size__tile_overlayer_lowered;
	s6 =	simm.s32 $_tile_overlayer_lowered  }
0x9b: {  	s22 =	simm.s32 $0x1BFF;
	s21 =	sshll.u32 s6, $0x1;
	s3 =	sadd.s32 s4, s19  }
0x9c: {  	s7 =	simm.s32 $0x0;
	s20 =	sshll.u32 s5, $0x1;
	s5 =	sadd.s32 s21, s3  }
0x9d: {  	[timem:s7], [sflag:s22] =	dma.local [hbm:s5], s20  }
0x9e: {  	_ =	swait.ge [sflag:s22], s20  }
0x9f: {  	s4 =	ssub.s32 $0x0, s20;
	[sflag:s22] =	ssyncset.done $0x0  }
0xa0: {  	[sflag:s22] =	ssyncadd.s32 s4;
	_ =	sdelay $0x1  }
0xa1: {  	s23 =	simm.s32 $0x1B8B  }
0xa2: {  	_ =	swait.ge [sflag:s23], $0x1  }
0xa3: {  	[sflag:s23] =	ssyncset.done $0x0  }
0xa4: {  	s25 =	simm.s32 $0x1B8E;
	s24 =	sld [smem:$0x3FFE];
	[sflag:s23] =	ssyncadd.s32 $0xFFFFFFFF  }
0xa5: {  	s26 =	simm.s32 $execute0_lowered;
	[smem:$0x3FD2] =	sst s25  }
0xa6: {  	s5 =	sshll.u32 s26, $0x1;
	_ =	strace $0x80000046;
	[dreg:$0x1] =	wrdreg $0xFFFFFFFF  }
0xa7: {  	s28 =	simm.s32 $_size_execute0_lowered;
	s3 =	sadd.s32 s3, s5;
	[dreg:$0x0] =	wrdreg $0x0  }
0xa8: {  	s5 =	sshll.u32 s28, $0x1;
	[dreg:$0x2] =	wrdreg s3  }
0xa9: {  	[dreg:$0x3] =	wrdreg s5  }
0xaa: {  	[dreg:$0x4] =	wrdreg $0xC0  }
0xab: {  	_ =	task [dreg:s7], $0x5FFFF  }
0xac: {  	[dreg:$0x1] =	wrdreg $0xFFFFFFFF  }
0xad: {  	[dreg:$0x0] =	wrdreg $0x60  }
0xae: {  	[dreg:$0x2] =	wrdreg s2  }
0xaf: {  	[dreg:$0x3] =	wrdreg s24  }
0xb0: {  	[dreg:$0x4] =	wrdreg $0x35000  }
0xb1: {  	[dreg:$0x5] =	wrdreg $0x9  }
0xb2: {  	_ =	task.clear_ibuf [dreg:s7], $0x6FFFF;
	_ =	strace $0x90000046  }
0xb3: {  	s29 =	simm.s32 $0x9;
	_ =	strace $0x80000048  }
0xb4: {  	_ =	swait.ge [sflag:s29], $0x1  }
0xb5: {  	[sflag:s29] =	ssyncadd.s32 $0xFFFFFFFF  }
0xb6: {  	_ =	strace $0x90000048  }
0xb7: {  	_ =	sfence  }
0xb8: {  	s30 =	sld [smem:$0x0];
	_ =	sdelay $0x2  }
0xb9: {  	s31 =	sshll.u32 s1, $0xD;
	s1 =	sshrl.u32 s1, $0x2  }
0xba: {  	s3 =	sand.u32 $0x4000, s31;
	s1 =	sadd.s32 s1, s30  }
0xbb: {  	s0 =	sor.u32 s3, s0;
	s1 =	sshll.u32 s1, $0x11  }
0xbc: {  	s0 =	sor.u32 s1, s0  }
0xbd: {  	s0 =	sadd.s32 $0x8F2B, s0  }
0xbe: {  	[sflag:s0] =	ssyncadd.remote.s32 $0x1  }
0xbf: {  	_ =	sfence.sel $0xFFFF  }
0xc0: {  	[dreg:$0x0] =	wrdreg $0xFFFFFFFF;
	(pc) =	sbr.abs _section_cstart, $3  }
0xc1: {  	[dreg:$0x1] =	wrdreg $0xFFFFFFFF  }
0xc2: {  	_ =	task.clear_ibuf [dreg:s7], $0x2FFFF;
	_ =	strace $0x9FFFFFFF  }
0xc3: {  	(tm) =	ssettm $0x7FFFFFFF  }
tec
execute0_lowered:
.L_overlay_start_1:
0x0: {  	(tag) =	ssettag $0x1  }
0x1: {  	s4 =	rddreg [dreg:$0x0]  }
0x2: {  	s5 =	rddreg [dreg:$0x1]  }
0x3: {  	s2 =	rddreg [dreg:$0x2];
	s3 =	srdreg.scid  }
0x4: {  	s1 =	stileid.u32;
	s0 =	rddreg [dreg:$0x3];
	s16 =	simm.s32 $0x1  }
0x5: {  	s17 =	simm.s32 $0x3100;
	s18 =	simm.s32 $0x80;
	s9 =	smul.u32 $0xA000, s1  }
0x6: {  	s19 =	simm.s32 $0x2900;
	s6 =	sand.u32 $0x1, s3;
	s10 =	smul.u32 $0x2800, s1  }
0x7: {  	s7 =	sshll.u32 s1, $0x1;
	s3 =	simm.s32 $0x0;
	s8 =	smul.u32 $0x5000, s6  }
0x8: {  	s7 =	sor.u32 s6, s7;
	[smem:$0x7FF] =	sst s3;
	s6 =	ssub.s32 $0x2, s6  }
0x9: {  	s7 =	smul.u32 $0x520, s7;
	_ =	strace $0x80000047;
	s30 =	sshrl.u32 s6, $0x1  }
0xa: {  	s31 =	sshrl.u32 s9, $0x2;
	s21 =	sshrl.u32 s10, $0x3;
	s22 =	sadd.s32 s10, s2  }
0xb: {  	s8 =	sadd.s32 s8, s5;
	s6 =	ssub.s32 s6, s30;
	s5 =	sadd.s32 s31, s2  }
0xc: {  	s4 =	sadd.s32 s4, s7;
	s20 =	sadd.s32 $0x1E00, s8;
	s6 =	smax.u32 s6, $0x1  }
0xd: {  	s7 =	sadd.s32 $0x400, s5;
	s8 =	sadd.s32 $0x800, s5;
	s9 =	sadd.s32 $0xC00, s5  }
0xe: {  	s10 =	sadd.s32 $0x1000, s5;
	s11 =	sadd.s32 $0x1400, s5;
	s12 =	sadd.s32 $0x1800, s5  }
0xf: {  	s13 =	sadd.s32 $0x1C00, s5;
	s14 =	sadd.s32 $0x2000, s5;
	s15 =	sadd.s32 $0x2400, s5  }
0x10: {  	v0 =	vimm.f32 $0.0e+00;
	v1 =	vimm.f32 $1.000000000e+00;
	s20 =	sadd.s32 s21, s20;
	s21 =	sshrl.u32 s22, $0x3;
	s22 =	simm.s32 $0x0  }
.LBB2_1:
0x11: {  	[tilespmem:s3], [sflag:$0x1] =	stream.linear.gather [hbm4b:s4+s3], $0x2900, $0x38;
	[tilespmem:$0x5D00] =	vst v63  }
0x12: {  	_ =	swait.ge [sflag:s16], $0x2900  }
0x13: {  	[sflag:s16] =	ssyncset.done $0x0  }
0x14: {  	s23 =	simm.s32 $0x0;
	[sflag:s16] =	ssyncadd.s32 $0xFFFFD700  }
.LBB2_2:
0x15: {  	p0 =	sne.s32 s23, $0xFC0  }
.Ltmp0:
0x16: {  	_ = 	snop;
	(pc) =	sbr.rel @p0 .LBB2_2-.Ltmp0, $3  }
0x17: {  	_ =	sdelay $0x1  }
0x18: {  	s24 =	sshra.s32 s23, $0x2  }
0x19: {  	s23 =	sadd.s32 $0x40, s23;
	[tilespmem:s24+$0x3100] =	vst v0  }
0x1a: {  	s23 =	simm.s32 $0x40;
	s24 =	simm.s32 $0x0  }
.LBB2_4:
0x1b: {  	p0 =	sne.s32 s23, $0x1FC0;
	[tilespmem:s24+$0x2900] =	vst v1;
	s24 =	smov.u32 s23;
	s23 =	sadd.s32 $0x40, s23  }
.Ltmp1:
0x1c: {  	(pc) =	sbr.rel @p0 .LBB2_4-.Ltmp1, $2  }
0x1d: {  	_ =	sdelay $0x2  }
0x1e: {  	s24 =	sshra.s32 s24, $0x2  }
0x1f: {  	[tilespmem:s24+$0x2900] =	vst v1  }
0x20: {  	[spmem:s5] =	stream.linear.scatter [tilespmem:s17], [sflag:$0x1], $0x400, $0x38;
	[tilespmem:$0x5D00] =	vst v63  }
0x21: {  	_ =	swait.ge [sflag:s16], $0x400  }
0x22: {  	[sflag:s16] =	ssyncset.done $0x0  }
0x23: {  	[sflag:s16] =	ssyncadd.s32 $0xFFFFFC00  }
0x24: {  	[spmem:s7] =	stream.linear.scatter [tilespmem:s17], [sflag:$0x1], $0x400, $0x38;
	[tilespmem:$0x5D00] =	vst v63  }
0x25: {  	_ =	swait.ge [sflag:s16], $0x400  }
0x26: {  	[sflag:s16] =	ssyncset.done $0x0  }
0x27: {  	[sflag:s16] =	ssyncadd.s32 $0xFFFFFC00  }
0x28: {  	[spmem:s8] =	stream.linear.scatter [tilespmem:s17], [sflag:$0x1], $0x400, $0x38;
	[tilespmem:$0x5D00] =	vst v63  }
0x29: {  	_ =	swait.ge [sflag:s16], $0x400  }
0x2a: {  	[sflag:s16] =	ssyncset.done $0x0  }
0x2b: {  	[sflag:s16] =	ssyncadd.s32 $0xFFFFFC00  }
0x2c: {  	[spmem:s9] =	stream.linear.scatter [tilespmem:s17], [sflag:$0x1], $0x400, $0x38;
	[tilespmem:$0x5D00] =	vst v63  }
0x2d: {  	_ =	swait.ge [sflag:s16], $0x400  }
0x2e: {  	[sflag:s16] =	ssyncset.done $0x0  }
0x2f: {  	[sflag:s16] =	ssyncadd.s32 $0xFFFFFC00  }
0x30: {  	[spmem:s10] =	stream.linear.scatter [tilespmem:s17], [sflag:$0x1], $0x400, $0x38;
	[tilespmem:$0x5D00] =	vst v63  }
0x31: {  	_ =	swait.ge [sflag:s16], $0x400  }
0x32: {  	[sflag:s16] =	ssyncset.done $0x0  }
0x33: {  	[sflag:s16] =	ssyncadd.s32 $0xFFFFFC00  }
0x34: {  	[spmem:s11] =	stream.linear.scatter [tilespmem:s17], [sflag:$0x1], $0x400, $0x38;
	[tilespmem:$0x5D00] =	vst v63  }
0x35: {  	_ =	swait.ge [sflag:s16], $0x400  }
0x36: {  	[sflag:s16] =	ssyncset.done $0x0  }
0x37: {  	[sflag:s16] =	ssyncadd.s32 $0xFFFFFC00  }
0x38: {  	[spmem:s12] =	stream.linear.scatter [tilespmem:s17], [sflag:$0x1], $0x400, $0x38;
	[tilespmem:$0x5D00] =	vst v63  }
0x39: {  	_ =	swait.ge [sflag:s16], $0x400  }
0x3a: {  	[sflag:s16] =	ssyncset.done $0x0  }
0x3b: {  	[sflag:s16] =	ssyncadd.s32 $0xFFFFFC00  }
0x3c: {  	[spmem:s13] =	stream.linear.scatter [tilespmem:s17], [sflag:$0x1], $0x400, $0x38;
	[tilespmem:$0x5D00] =	vst v63  }
0x3d: {  	_ =	swait.ge [sflag:s16], $0x400  }
0x3e: {  	[sflag:s16] =	ssyncset.done $0x0  }
0x3f: {  	[sflag:s16] =	ssyncadd.s32 $0xFFFFFC00  }
0x40: {  	[spmem:s14] =	stream.linear.scatter [tilespmem:s17], [sflag:$0x1], $0x400, $0x38;
	[tilespmem:$0x5D00] =	vst v63  }
0x41: {  	_ =	swait.ge [sflag:s16], $0x400  }
0x42: {  	[sflag:s16] =	ssyncset.done $0x0  }
0x43: {  	[sflag:s16] =	ssyncadd.s32 $0xFFFFFC00  }
0x44: {  	[spmem:s15] =	stream.linear.scatter [tilespmem:s17], [sflag:$0x1], $0x400, $0x38;
	[tilespmem:$0x5D00] =	vst v63  }
0x45: {  	_ =	swait.ge [sflag:s16], $0x400  }
0x46: {  	[sflag:s16] =	ssyncset.done $0x0  }
0x47: {  	[sflag:s16] =	ssyncadd.s32 $0xFFFFFC00  }
0x48: {  	s23 =	simm.s32 $0x0;
	[bflag:$0x0] =	sbarrier.arrive $0xFFFF  }
0x49: {  	[spmem:s2] =	stream.indirect.scatter.add.f32 [tilespmem:s19], [sflag:$0x1], $0x10, s23, s18, $0xb8;
	[tilespmem:$0x5D00] =	vst v63  }
0x4a: {  	_ =	swait.ge [sflag:s16], $0x800  }
0x4b: {  	s23 =	simm.s32 $0x200;
	[sflag:s16] =	ssyncset.done $0x0  }
.LBB2_6:
0x4c: {  	s24 =	sshra.s32 s23, $0x2;
	[sflag:s16] =	ssyncadd.s32 $0xFFFFF800;
	p0 =	sne.s32 s23, $0xA200  }
0x4d: {  	[spmem:s2] =	stream.indirect.scatter.add.f32 [tilespmem:s19], [sflag:$0x1], $0x10, s24, s18, $0xb8;
	[tilespmem:$0x5D00] =	vst v63  }
.Ltmp2:
0x4e: {  	_ = 	snop;
	(pc) =	sbr.rel @p0 .LBB2_6-.Ltmp2, $4  }
0x4f: {  	_ = 	snop  }
0x50: {  	s23 =	sadd.s32 $0x200, s23  }
0x51: {  	_ =	swait.ge [sflag:s16], $0x800  }
0x52: {  	[sflag:s16] =	ssyncset.done $0x0  }
0x53: {  	s22 =	sadd.s32 $0x1, s22  }
0x54: {  	[sflag:s16] =	ssyncadd.s32 $0xFFFFF800;
	s23 =	sshll.u32 s1, $0x6;
	p0 =	sne.s32 s22, s6  }
.Ltmp3:
0x55: {  	[bflag:$0x0] =	sbarrier.arrive $0xFFFF;
	s23 =	sor.u32 $0x1C01, s23;
	(pc) =	sbr.rel @p0 .LBB2_1-.Ltmp3, $4  }
0x56: {  	[hbm:s20], [sflag:s23] =	dma.local [spmem:s21], $0x500  }
0x57: {  	_ =	swait.ge [sflag:s16], $0x500  }
0x58: {  	[sflag:s16] =	ssyncset.done $0x0  }
0x59: {  	[sflag:s16] =	ssyncadd.s32 $0xFFFFFB00  }
0x5a: {  	_ =	sfence.sel $0x180000  }
0x5b: {  	[bflag:$0x0] =	sbarrier.arrive $0xFFFF  }
0x5c: {  	p0 =	sne.s32 s1, $0x0;
	_ =	strace $0x90000047  }
0x5d: {  	s0 =	sadd.s32 @!p0 $0x100000, s0;
	[bflag:$0x2] =	sbarrier.arrive $0xFFFF  }
0x5e: {  	[sflag:s0] =	ssyncadd.tile.s32 @!p0 $0x1;
	_ =	shalt  }
.Lfunc_end2:
_tile_overlayer_lowered:
.L_overlay_start_2:
0x5f: {  	(tag) =	ssettag $0x2  }
0x60: {  	s0 =	rddreg [dreg:$0x0];
	s2 =	stileid.u32  }
0x61: {  	s1 =	rddreg [dreg:$0x1];
	p0 =	sne.s32 s2, $0x0  }
0x62: {  	s3 =	rddreg [dreg:$0x2];
	[bflag:$0x3] =	sbarrier.arrive $0xFFFF;
	s2 =	simm.s32 @!p0 $0x1C01  }
0x63: {  	[timem:s3], [sflag:s2] =	dma.local @!p0 [hbm:s0], s1  }
0x64: {  	s0 =	simm.s32 @!p0 $0x1  }
0x65: {  	_ =	swait.ge @!p0 [sflag:s0], s1  }
0x66: {  	s1 =	ssub.s32 @!p0 $0x0, s1;
	[sflag:s0] =	ssyncset.done @!p0 $0x0  }
0x67: {  	[sflag:s0] =	ssyncadd.s32 @!p0 s1  }
0x68: {  	[bflag:$0x3] =	sbarrier.arrive $0xFFFF  }
0x69: {  	_ =	shalt  }

</sc_bundles>
